<compile_context>
chip_gen: v7x
topology: tpu7x:2x2x1
jax: 0.10.2.dev20260603
libtpu: 0.0.44.dev20260713+nightly
codegen_flags: <defaults>
</compile_context>

<pallas_src>
import jax
import jax.numpy as jnp
from jax import lax
from jax.experimental import pallas as pl
from jax.experimental.pallas import tpu as pltpu
from jax.experimental.pallas import tpu_sc as plsc

NUM_SPECIES = 119
EMBED_DIM = 128
N_NODES = 100000

NC, NS = 2, 16
NW = NC * NS
SPAN = 3128
CHUNK = 224
NBUF = 4
NFULL = SPAN // CHUNK
TAIL_A = SPAN - NFULL * CHUNK
TAIL_B = (N_NODES - (NW - 1) * SPAN) - NFULL * CHUNK


def _embed_body(table_hbm, idx_hbm, out_hbm, table_sh, idx_v, bufs_ref,
                *sems):
    gsems = sems[:NBUF]
    osems = sems[NBUF:]
    wid = lax.axis_index("s") * NC + lax.axis_index("c")
    base = wid * SPAN
    is_last = wid == NW - 1

    def stage_table():
        pltpu.sync_copy(table_hbm, table_sh)

    pl.when(lax.axis_index("s") == 0)(stage_table)

    pltpu.sync_copy(idx_hbm.at[pl.ds(base, NFULL * CHUNK)],
                    idx_v.at[pl.ds(0, NFULL * CHUNK)])
    tb = base + NFULL * CHUNK

    def stage_tail_a():
        pltpu.sync_copy(idx_hbm.at[pl.ds(tb, TAIL_A)],
                        idx_v.at[pl.ds(NFULL * CHUNK, TAIL_A)])

    def stage_tail_b():
        pltpu.sync_copy(idx_hbm.at[pl.ds(tb, TAIL_B)],
                        idx_v.at[pl.ds(NFULL * CHUNK, TAIL_B)])

    pl.when(jnp.logical_not(is_last))(stage_tail_a)
    pl.when(is_last)(stage_tail_b)

    plsc.subcore_barrier()

    def start_gather(c, n=CHUNK):
        return pltpu.async_copy(
            table_sh.at[idx_v.at[pl.ds(c * CHUNK, n)]],
            bufs_ref.at[c % NBUF].at[pl.ds(0, n)],
            gsems[c % NBUF],
        )

    def start_out(c, n=CHUNK):
        return pltpu.async_copy(
            bufs_ref.at[c % NBUF].at[pl.ds(0, n)],
            out_hbm.at[pl.ds(base + c * CHUNK, n)],
            osems[c % NBUF],
        )

    gather = [None] * NBUF
    out = [None] * NBUF
    for c in range(min(NBUF, NFULL)):
        gather[c % NBUF] = start_gather(c)
    for c in range(NFULL):
        nxt = c + NBUF
        gather[c % NBUF].wait()
        out[c % NBUF] = start_out(c)
        if nxt < NFULL:
            out[nxt % NBUF].wait()
            out[nxt % NBUF] = None
            gather[nxt % NBUF] = start_gather(nxt)

    tslot = NFULL % NBUF
    if out[tslot] is not None:
        out[tslot].wait()
        out[tslot] = None

    def tail_a():
        start_gather(NFULL, TAIL_A).wait()
        start_out(NFULL, TAIL_A).wait()

    def tail_b():
        start_gather(NFULL, TAIL_B).wait()
        start_out(NFULL, TAIL_B).wait()

    pl.when(jnp.logical_not(is_last))(tail_a)
    pl.when(is_last)(tail_b)

    for o in out:
        if o is not None:
            o.wait()


@jax.jit
def kernel(node_species, embed_table):
    idx = node_species.astype(jnp.int32)
    mesh = plsc.VectorSubcoreMesh(core_axis_name="c", subcore_axis_name="s")
    return pl.kernel(
        _embed_body,
        out_type=jax.ShapeDtypeStruct((N_NODES, EMBED_DIM), jnp.float32),
        mesh=mesh,
        scratch_types=[
            pltpu.VMEM_SHARED((NUM_SPECIES, EMBED_DIM), jnp.float32),
            pltpu.VMEM((SPAN,), jnp.int32),
            pltpu.VMEM((NBUF, CHUNK, EMBED_DIM), jnp.float32),
        ] + [pltpu.SemaphoreType.DMA] * (2 * NBUF),
    )(embed_table, idx)

# --- scband reference (transcript-rebuilt; emitter-appended) ---
"""Pipeline reference for scband-linear-node-embedding-84859963834512 (READ-ONLY COPY).

The authoritative reference and input builder live on the scoring server;
editing this copy changes nothing except your own understanding.
"""

import jax, jax.numpy as jnp
import numpy as np

NUM_SPECIES = 119
EMBED_DIM = 128  # e3nn.Irreps('128x0e').filter('0e').regroup().dim == 128
N_NODES = 100000


def setup_inputs(seed: int = 0) -> dict:
    key = jax.random.key(seed)
    k1, k2 = jax.random.split(key)
    node_species = jax.random.randint(k1, (N_NODES,), 0, NUM_SPECIES, dtype=jnp.int64 if jax.config.read('jax_enable_x64') else jnp.int32)
    # nn.Embed default init: normal(stddev=1/sqrt(features)) variant; exact init irrelevant for the op
    embed_table = jax.random.normal(k2, (NUM_SPECIES, EMBED_DIM), dtype=jnp.float32) * (1.0 / np.sqrt(EMBED_DIM))
    return {"node_species": node_species, "embed_table": embed_table}


def reference(node_species, embed_table):
    # LinearNodeEmbedding.__call__: embedding lookup producing the '0e' scalar
    # channels of irreps_out. The e3nn.IrrepsArray wrapper just tags the data;
    # the underlying array is exactly the embedding output.
    return jnp.take(embed_table, node_species, axis=0)

if __name__ == "__main__":
    import jax
    _d = setup_inputs()
    print(jax.jit(kernel)(*tuple(_d.values())))

</pallas_src>

<mosaic_0001>
#map = affine_map<(d0, d1) -> (0, 0)>
#map1 = affine_map<(d0, d1) -> (0)>
module attributes {stable_mosaic.version = 14 : i64} {
  func.func @_embed_body(%arg0: i32, %arg1: i32, %arg2: memref<119x128xf32, #tpu.memory_space<hbm>>, %arg3: memref<100000xi32, #tpu.memory_space<hbm>>, %arg4: memref<100000x128xf32, #tpu.memory_space<hbm>>, %arg5: memref<119x128xf32, #tpu.memory_space<vmem_shared>>, %arg6: memref<3128xi32, #tpu.memory_space<vmem>>, %arg7: memref<4x224x128xf32, #tpu.memory_space<vmem>>, %arg8: memref<!tpu.dma_semaphore, #tpu.memory_space<semaphore_mem>>, %arg9: memref<!tpu.dma_semaphore, #tpu.memory_space<semaphore_mem>>, %arg10: memref<!tpu.dma_semaphore, #tpu.memory_space<semaphore_mem>>, %arg11: memref<!tpu.dma_semaphore, #tpu.memory_space<semaphore_mem>>, %arg12: memref<!tpu.dma_semaphore, #tpu.memory_space<semaphore_mem>>, %arg13: memref<!tpu.dma_semaphore, #tpu.memory_space<semaphore_mem>>, %arg14: memref<!tpu.dma_semaphore, #tpu.memory_space<semaphore_mem>>, %arg15: memref<!tpu.dma_semaphore, #tpu.memory_space<semaphore_mem>>) attributes {dimension_semantics = [#tpu.dimension_semantics<core_parallel>, #tpu.dimension_semantics<subcore_parallel>], iteration_bounds = array<i64: 2, 16>, scalar_prefetch = 0 : i64, scratch_operands = 11 : i64, tpu.core_type = #tpu.core_type<sc_vector_subcore>, window_params = [{transform_indices = #map}, {transform_indices = #map1}, {transform_indices = #map}]} {
    %mul3A = arith.constant 2 : i32
    %mul3A_0 = arith.muli %arg1, %mul3A : i32
    %add3A = arith.addi %mul3A_0, %arg0 : i32
    %mul3A_1 = arith.constant 3128 : i32
    %mul3A_2 = arith.muli %add3A, %mul3A_1 : i32
    %eq3A = arith.constant 31 : i32
    %eq3A_3 = arith.cmpi eq, %add3A, %eq3A : i32
    %eq3A_4 = arith.constant 0 : i32
    %eq3A_5 = arith.cmpi eq, %arg1, %eq3A_4 : i32
    %convert_element_type3A = arith.extui %eq3A_5 : i1 to i32
    %cond3A = arith.constant 0 : i32
    %cond3A_6 = arith.cmpi ne, %convert_element_type3A, %cond3A : i32
    scf.if %cond3A_6 {
      "tpu.region"() ({
        %run_scoped3A = tpu.sem_alloc : memref<!tpu.dma_semaphore, #tpu.memory_space<semaphore_mem>>
        tpu.enqueue_dma source(%arg2 : memref<119x128xf32, #tpu.memory_space<hbm>>) target(%arg5 : memref<119x128xf32, #tpu.memory_space<vmem_shared>>) target_semaphore(%run_scoped3A : memref<!tpu.dma_semaphore, #tpu.memory_space<semaphore_mem>>)
        tpu.wait_dma2 semaphore(%run_scoped3A : memref<!tpu.dma_semaphore, #tpu.memory_space<semaphore_mem>>) src(%arg2 : memref<119x128xf32, #tpu.memory_space<hbm>>) dst(%arg5 : memref<119x128xf32, #tpu.memory_space<vmem_shared>>)
        tpu.yield
      }) : () -> ()
    } else {
    }
    "tpu.region"() ({
      %run_scoped3A = tpu.sem_alloc : memref<!tpu.dma_semaphore, #tpu.memory_space<semaphore_mem>>
      %dma_start3A_880 = arith.constant 0 : i32
      %dma_start3A_881 = tpu.memref_slice %arg6[%dma_start3A_880] : memref<3128xi32, #tpu.memory_space<vmem>> -> memref<2912xi32, #tpu.memory_space<vmem>>
      %dma_start3A_882 = tpu.memref_slice %arg3[%mul3A_2] : memref<100000xi32, #tpu.memory_space<hbm>> -> memref<2912xi32, #tpu.memory_space<hbm>>
      %dma_start3A_883 = arith.constant 0 : i32
      %dma_start3A_884 = tpu.memref_slice %arg6[%dma_start3A_883] : memref<3128xi32, #tpu.memory_space<vmem>> -> memref<2912xi32, #tpu.memory_space<vmem>>
      %dma_start3A_885 = tpu.memref_slice %arg3[%mul3A_2] : memref<100000xi32, #tpu.memory_space<hbm>> -> memref<2912xi32, #tpu.memory_space<hbm>>
      tpu.enqueue_dma source(%dma_start3A_885 : memref<2912xi32, #tpu.memory_space<hbm>>) target(%dma_start3A_884 : memref<2912xi32, #tpu.memory_space<vmem>>) target_semaphore(%run_scoped3A : memref<!tpu.dma_semaphore, #tpu.memory_space<semaphore_mem>>)
      %dma_wait3A_886 = arith.constant 0 : i32
      %dma_wait3A_887 = tpu.memref_slice %arg6[%dma_wait3A_886] : memref<3128xi32, #tpu.memory_space<vmem>> -> memref<2912xi32, #tpu.memory_space<vmem>>
      %dma_wait3A_888 = tpu.memref_slice %arg3[%mul3A_2] : memref<100000xi32, #tpu.memory_space<hbm>> -> memref<2912xi32, #tpu.memory_space<hbm>>
      %dma_wait3A_889 = arith.constant 0 : i32
      %dma_wait3A_890 = tpu.memref_slice %arg6[%dma_wait3A_889] : memref<3128xi32, #tpu.memory_space<vmem>> -> memref<2912xi32, #tpu.memory_space<vmem>>
      %dma_wait3A_891 = tpu.memref_slice %arg3[%mul3A_2] : memref<100000xi32, #tpu.memory_space<hbm>> -> memref<2912xi32, #tpu.memory_space<hbm>>
      tpu.wait_dma2 semaphore(%run_scoped3A : memref<!tpu.dma_semaphore, #tpu.memory_space<semaphore_mem>>) src(%dma_wait3A_891 : memref<2912xi32, #tpu.memory_space<hbm>>) dst(%dma_wait3A_890 : memref<2912xi32, #tpu.memory_space<vmem>>)
      tpu.yield
    }) : () -> ()
    %add3A_7 = arith.constant 2912 : i32
    %add3A_8 = arith.addi %mul3A_2, %add3A_7 : i32
    %not3A = arith.constant true
    %not3A_9 = arith.xori %eq3A_3, %not3A : i1
    %convert_element_type3A_10 = arith.extui %not3A_9 : i1 to i32
    %cond3A_11 = arith.constant 0 : i32
    %cond3A_12 = arith.cmpi ne, %convert_element_type3A_10, %cond3A_11 : i32
    scf.if %cond3A_12 {
      "tpu.region"() ({
        %run_scoped3A = tpu.sem_alloc : memref<!tpu.dma_semaphore, #tpu.memory_space<semaphore_mem>>
        %dma_start3A_880 = arith.constant 2912 : i32
        %dma_start3A_881 = tpu.memref_slice %arg6[%dma_start3A_880] : memref<3128xi32, #tpu.memory_space<vmem>> -> memref<216xi32, #tpu.memory_space<vmem>>
        %dma_start3A_882 = tpu.memref_slice %arg3[%add3A_8] : memref<100000xi32, #tpu.memory_space<hbm>> -> memref<216xi32, #tpu.memory_space<hbm>>
        %dma_start3A_883 = arith.constant 2912 : i32
        %dma_start3A_884 = tpu.memref_slice %arg6[%dma_start3A_883] : memref<3128xi32, #tpu.memory_space<vmem>> -> memref<216xi32, #tpu.memory_space<vmem>>
        %dma_start3A_885 = tpu.memref_slice %arg3[%add3A_8] : memref<100000xi32, #tpu.memory_space<hbm>> -> memref<216xi32, #tpu.memory_space<hbm>>
        tpu.enqueue_dma source(%dma_start3A_885 : memref<216xi32, #tpu.memory_space<hbm>>) target(%dma_start3A_884 : memref<216xi32, #tpu.memory_space<vmem>>) target_semaphore(%run_scoped3A : memref<!tpu.dma_semaphore, #tpu.memory_space<semaphore_mem>>)
        %dma_wait3A_886 = arith.constant 2912 : i32
        %dma_wait3A_887 = tpu.memref_slice %arg6[%dma_wait3A_886] : memref<3128xi32, #tpu.memory_space<vmem>> -> memref<216xi32, #tpu.memory_space<vmem>>
        %dma_wait3A_888 = tpu.memref_slice %arg3[%add3A_8] : memref<100000xi32, #tpu.memory_space<hbm>> -> memref<216xi32, #tpu.memory_space<hbm>>
        %dma_wait3A_889 = arith.constant 2912 : i32
        %dma_wait3A_890 = tpu.memref_slice %arg6[%dma_wait3A_889] : memref<3128xi32, #tpu.memory_space<vmem>> -> memref<216xi32, #tpu.memory_space<vmem>>
        %dma_wait3A_891 = tpu.memref_slice %arg3[%add3A_8] : memref<100000xi32, #tpu.memory_space<hbm>> -> memref<216xi32, #tpu.memory_space<hbm>>
        tpu.wait_dma2 semaphore(%run_scoped3A : memref<!tpu.dma_semaphore, #tpu.memory_space<semaphore_mem>>) src(%dma_wait3A_891 : memref<216xi32, #tpu.memory_space<hbm>>) dst(%dma_wait3A_890 : memref<216xi32, #tpu.memory_space<vmem>>)
        tpu.yield
      }) : () -> ()
    } else {
    }
    %convert_element_type3A_13 = arith.extui %eq3A_3 : i1 to i32
    %cond3A_14 = arith.constant 0 : i32
    %cond3A_15 = arith.cmpi ne, %convert_element_type3A_13, %cond3A_14 : i32
    scf.if %cond3A_15 {
      "tpu.region"() ({
        %run_scoped3A = tpu.sem_alloc : memref<!tpu.dma_semaphore, #tpu.memory_space<semaphore_mem>>
        %dma_start3A_880 = arith.constant 2912 : i32
        %dma_start3A_881 = tpu.memref_slice %arg6[%dma_start3A_880] : memref<3128xi32, #tpu.memory_space<vmem>> -> memref<120xi32, #tpu.memory_space<vmem>>
        %dma_start3A_882 = tpu.memref_slice %arg3[%add3A_8] : memref<100000xi32, #tpu.memory_space<hbm>> -> memref<120xi32, #tpu.memory_space<hbm>>
        %dma_start3A_883 = arith.constant 2912 : i32
        %dma_start3A_884 = tpu.memref_slice %arg6[%dma_start3A_883] : memref<3128xi32, #tpu.memory_space<vmem>> -> memref<120xi32, #tpu.memory_space<vmem>>
        %dma_start3A_885 = tpu.memref_slice %arg3[%add3A_8] : memref<100000xi32, #tpu.memory_space<hbm>> -> memref<120xi32, #tpu.memory_space<hbm>>
        tpu.enqueue_dma source(%dma_start3A_885 : memref<120xi32, #tpu.memory_space<hbm>>) target(%dma_start3A_884 : memref<120xi32, #tpu.memory_space<vmem>>) target_semaphore(%run_scoped3A : memref<!tpu.dma_semaphore, #tpu.memory_space<semaphore_mem>>)
        %dma_wait3A_886 = arith.constant 2912 : i32
        %dma_wait3A_887 = tpu.memref_slice %arg6[%dma_wait3A_886] : memref<3128xi32, #tpu.memory_space<vmem>> -> memref<120xi32, #tpu.memory_space<vmem>>
        %dma_wait3A_888 = tpu.memref_slice %arg3[%add3A_8] : memref<100000xi32, #tpu.memory_space<hbm>> -> memref<120xi32, #tpu.memory_space<hbm>>
        %dma_wait3A_889 = arith.constant 2912 : i32
        %dma_wait3A_890 = tpu.memref_slice %arg6[%dma_wait3A_889] : memref<3128xi32, #tpu.memory_space<vmem>> -> memref<120xi32, #tpu.memory_space<vmem>>
        %dma_wait3A_891 = tpu.memref_slice %arg3[%add3A_8] : memref<100000xi32, #tpu.memory_space<hbm>> -> memref<120xi32, #tpu.memory_space<hbm>>
        tpu.wait_dma2 semaphore(%run_scoped3A : memref<!tpu.dma_semaphore, #tpu.memory_space<semaphore_mem>>) src(%dma_wait3A_891 : memref<120xi32, #tpu.memory_space<hbm>>) dst(%dma_wait3A_890 : memref<120xi32, #tpu.memory_space<vmem>>)
        tpu.yield
      }) : () -> ()
    } else {
    }
    %barrier3A = arith.constant 0 : index
    tpu.barrier barrier_id(%barrier3A)
    %dma_start3A = arith.constant 0 : i32
    %dma_start3A_16 = arith.constant 0 : i32
    %dma_start3A_17 = arith.constant 0 : i32
    %dma_start3A_18 = tpu.memref_slice %arg7[%dma_start3A, %dma_start3A_16, %dma_start3A_17] : memref<4x224x128xf32, #tpu.memory_space<vmem>> -> memref<1x224x128xf32, #tpu.memory_space<vmem>>
    %dma_start3A_19 = tpu.memref_squeeze %dma_start3A_18 : memref<1x224x128xf32, #tpu.memory_space<vmem>> -> memref<224x128xf32, #tpu.memory_space<vmem>>
    %dma_start3A_20 = arith.constant 0 : i32
    %dma_start3A_21 = arith.constant 0 : i32
    %dma_start3A_22 = tpu.memref_slice %dma_start3A_19[%dma_start3A_20, %dma_start3A_21] : memref<224x128xf32, #tpu.memory_space<vmem>> -> memref<224x128xf32, #tpu.memory_space<vmem>>
    %dma_start3A_23 = arith.constant 0 : i32
    %dma_start3A_24 = tpu.memref_slice %arg6[%dma_start3A_23] : memref<3128xi32, #tpu.memory_space<vmem>> -> memref<224xi32, #tpu.memory_space<vmem>>
    %dma_start3A_25 = arith.constant 0 : i32
    %dma_start3A_26 = arith.constant 0 : i32
    %dma_start3A_27 = tpu.memref_slice %arg5[%dma_start3A_25, %dma_start3A_26] : memref<119x128xf32, #tpu.memory_space<vmem_shared>> -> memref<119x128xf32, #tpu.memory_space<vmem_shared>>
    tpu.enqueue_indirect_dma source(%dma_start3A_27 : memref<119x128xf32, #tpu.memory_space<vmem_shared>>) target(%dma_start3A_22 : memref<224x128xf32, #tpu.memory_space<vmem>>) offsets(%dma_start3A_24 : memref<224xi32, #tpu.memory_space<vmem>>) semaphore(%arg8 : memref<!tpu.dma_semaphore, #tpu.memory_space<semaphore_mem>>)
    %dma_start3A_28 = arith.constant 1 : i32
    %dma_start3A_29 = arith.constant 0 : i32
    %dma_start3A_30 = arith.constant 0 : i32
    %dma_start3A_31 = tpu.memref_slice %arg7[%dma_start3A_28, %dma_start3A_29, %dma_start3A_30] : memref<4x224x128xf32, #tpu.memory_space<vmem>> -> memref<1x224x128xf32, #tpu.memory_space<vmem>>
    %dma_start3A_32 = tpu.memref_squeeze %dma_start3A_31 : memref<1x224x128xf32, #tpu.memory_space<vmem>> -> memref<224x128xf32, #tpu.memory_space<vmem>>
    %dma_start3A_33 = arith.constant 0 : i32
    %dma_start3A_34 = arith.constant 0 : i32
    %dma_start3A_35 = tpu.memref_slice %dma_start3A_32[%dma_start3A_33, %dma_start3A_34] : memref<224x128xf32, #tpu.memory_space<vmem>> -> memref<224x128xf32, #tpu.memory_space<vmem>>
    %dma_start3A_36 = arith.constant 224 : i32
    %dma_start3A_37 = tpu.memref_slice %arg6[%dma_start3A_36] : memref<3128xi32, #tpu.memory_space<vmem>> -> memref<224xi32, #tpu.memory_space<vmem>>
    %dma_start3A_38 = arith.constant 0 : i32
    %dma_start3A_39 = arith.constant 0 : i32
    %dma_start3A_40 = tpu.memref_slice %arg5[%dma_start3A_38, %dma_start3A_39] : memref<119x128xf32, #tpu.memory_space<vmem_shared>> -> memref<119x128xf32, #tpu.memory_space<vmem_shared>>
    tpu.enqueue_indirect_dma source(%dma_start3A_40 : memref<119x128xf32, #tpu.memory_space<vmem_shared>>) target(%dma_start3A_35 : memref<224x128xf32, #tpu.memory_space<vmem>>) offsets(%dma_start3A_37 : memref<224xi32, #tpu.memory_space<vmem>>) semaphore(%arg9 : memref<!tpu.dma_semaphore, #tpu.memory_space<semaphore_mem>>)
    %dma_start3A_41 = arith.constant 2 : i32
    %dma_start3A_42 = arith.constant 0 : i32
    %dma_start3A_43 = arith.constant 0 : i32
    %dma_start3A_44 = tpu.memref_slice %arg7[%dma_start3A_41, %dma_start3A_42, %dma_start3A_43] : memref<4x224x128xf32, #tpu.memory_space<vmem>> -> memref<1x224x128xf32, #tpu.memory_space<vmem>>
    %dma_start3A_45 = tpu.memref_squeeze %dma_start3A_44 : memref<1x224x128xf32, #tpu.memory_space<vmem>> -> memref<224x128xf32, #tpu.memory_space<vmem>>
    %dma_start3A_46 = arith.constant 0 : i32
    %dma_start3A_47 = arith.constant 0 : i32
    %dma_start3A_48 = tpu.memref_slice %dma_start3A_45[%dma_start3A_46, %dma_start3A_47] : memref<224x128xf32, #tpu.memory_space<vmem>> -> memref<224x128xf32, #tpu.memory_space<vmem>>
    %dma_start3A_49 = arith.constant 448 : i32
    %dma_start3A_50 = tpu.memref_slice %arg6[%dma_start3A_49] : memref<3128xi32, #tpu.memory_space<vmem>> -> memref<224xi32, #tpu.memory_space<vmem>>
    %dma_start3A_51 = arith.constant 0 : i32
    %dma_start3A_52 = arith.constant 0 : i32
    %dma_start3A_53 = tpu.memref_slice %arg5[%dma_start3A_51, %dma_start3A_52] : memref<119x128xf32, #tpu.memory_space<vmem_shared>> -> memref<119x128xf32, #tpu.memory_space<vmem_shared>>
    tpu.enqueue_indirect_dma source(%dma_start3A_53 : memref<119x128xf32, #tpu.memory_space<vmem_shared>>) target(%dma_start3A_48 : memref<224x128xf32, #tpu.memory_space<vmem>>) offsets(%dma_start3A_50 : memref<224xi32, #tpu.memory_space<vmem>>) semaphore(%arg10 : memref<!tpu.dma_semaphore, #tpu.memory_space<semaphore_mem>>)
    %dma_start3A_54 = arith.constant 3 : i32
    %dma_start3A_55 = arith.constant 0 : i32
    %dma_start3A_56 = arith.constant 0 : i32
    %dma_start3A_57 = tpu.memref_slice %arg7[%dma_start3A_54, %dma_start3A_55, %dma_start3A_56] : memref<4x224x128xf32, #tpu.memory_space<vmem>> -> memref<1x224x128xf32, #tpu.memory_space<vmem>>
    %dma_start3A_58 = tpu.memref_squeeze %dma_start3A_57 : memref<1x224x128xf32, #tpu.memory_space<vmem>> -> memref<224x128xf32, #tpu.memory_space<vmem>>
    %dma_start3A_59 = arith.constant 0 : i32
    %dma_start3A_60 = arith.constant 0 : i32
    %dma_start3A_61 = tpu.memref_slice %dma_start3A_58[%dma_start3A_59, %dma_start3A_60] : memref<224x128xf32, #tpu.memory_space<vmem>> -> memref<224x128xf32, #tpu.memory_space<vmem>>
    %dma_start3A_62 = arith.constant 672 : i32
    %dma_start3A_63 = tpu.memref_slice %arg6[%dma_start3A_62] : memref<3128xi32, #tpu.memory_space<vmem>> -> memref<224xi32, #tpu.memory_space<vmem>>
    %dma_start3A_64 = arith.constant 0 : i32
    %dma_start3A_65 = arith.constant 0 : i32
    %dma_start3A_66 = tpu.memref_slice %arg5[%dma_start3A_64, %dma_start3A_65] : memref<119x128xf32, #tpu.memory_space<vmem_shared>> -> memref<119x128xf32, #tpu.memory_space<vmem_shared>>
    tpu.enqueue_indirect_dma source(%dma_start3A_66 : memref<119x128xf32, #tpu.memory_space<vmem_shared>>) target(%dma_start3A_61 : memref<224x128xf32, #tpu.memory_space<vmem>>) offsets(%dma_start3A_63 : memref<224xi32, #tpu.memory_space<vmem>>) semaphore(%arg11 : memref<!tpu.dma_semaphore, #tpu.memory_space<semaphore_mem>>)
    %dma_wait3A = arith.constant 0 : i32
    %dma_wait3A_67 = arith.constant 0 : i32
    %dma_wait3A_68 = arith.constant 0 : i32
    %dma_wait3A_69 = tpu.memref_slice %arg7[%dma_wait3A, %dma_wait3A_67, %dma_wait3A_68] : memref<4x224x128xf32, #tpu.memory_space<vmem>> -> memref<1x224x128xf32, #tpu.memory_space<vmem>>
    %dma_wait3A_70 = tpu.memref_squeeze %dma_wait3A_69 : memref<1x224x128xf32, #tpu.memory_space<vmem>> -> memref<224x128xf32, #tpu.memory_space<vmem>>
    %dma_wait3A_71 = arith.constant 0 : i32
    %dma_wait3A_72 = arith.constant 0 : i32
    %dma_wait3A_73 = tpu.memref_slice %dma_wait3A_70[%dma_wait3A_71, %dma_wait3A_72] : memref<224x128xf32, #tpu.memory_space<vmem>> -> memref<224x128xf32, #tpu.memory_space<vmem>>
    %dma_wait3A_74 = arith.constant 0 : i32
    %dma_wait3A_75 = tpu.memref_slice %arg6[%dma_wait3A_74] : memref<3128xi32, #tpu.memory_space<vmem>> -> memref<224xi32, #tpu.memory_space<vmem>>
    %dma_wait3A_76 = arith.constant 0 : i32
    %dma_wait3A_77 = arith.constant 0 : i32
    %dma_wait3A_78 = tpu.memref_slice %arg5[%dma_wait3A_76, %dma_wait3A_77] : memref<119x128xf32, #tpu.memory_space<vmem_shared>> -> memref<119x128xf32, #tpu.memory_space<vmem_shared>>
    tpu.wait_indirect_dma semaphore(%arg8 : memref<!tpu.dma_semaphore, #tpu.memory_space<semaphore_mem>>) src(%dma_wait3A_78 : memref<119x128xf32, #tpu.memory_space<vmem_shared>>) dst(%dma_wait3A_73 : memref<224x128xf32, #tpu.memory_space<vmem>>)
    %add3A_79 = arith.constant 0 : i32
    %add3A_80 = arith.addi %mul3A_2, %add3A_79 : i32
    %dma_start3A_81 = arith.constant 0 : i32
    %dma_start3A_82 = arith.constant 0 : i32
    %dma_start3A_83 = arith.constant 0 : i32
    %dma_start3A_84 = tpu.memref_slice %arg7[%dma_start3A_81, %dma_start3A_82, %dma_start3A_83] : memref<4x224x128xf32, #tpu.memory_space<vmem>> -> memref<1x224x128xf32, #tpu.memory_space<vmem>>
    %dma_start3A_85 = tpu.memref_squeeze %dma_start3A_84 : memref<1x224x128xf32, #tpu.memory_space<vmem>> -> memref<224x128xf32, #tpu.memory_space<vmem>>
    %dma_start3A_86 = arith.constant 0 : i32
    %dma_start3A_87 = arith.constant 0 : i32
    %dma_start3A_88 = tpu.memref_slice %dma_start3A_85[%dma_start3A_86, %dma_start3A_87] : memref<224x128xf32, #tpu.memory_space<vmem>> -> memref<224x128xf32, #tpu.memory_space<vmem>>
    %dma_start3A_89 = arith.constant 0 : i32
    %dma_start3A_90 = tpu.memref_slice %arg4[%add3A_80, %dma_start3A_89] : memref<100000x128xf32, #tpu.memory_space<hbm>> -> memref<224x128xf32, #tpu.memory_space<hbm>>
    %dma_start3A_91 = arith.constant 0 : i32
    %dma_start3A_92 = tpu.memref_slice %arg4[%add3A_80, %dma_start3A_91] : memref<100000x128xf32, #tpu.memory_space<hbm>> -> memref<224x128xf32, #tpu.memory_space<hbm>>
    %dma_start3A_93 = arith.constant 0 : i32
    %dma_start3A_94 = arith.constant 0 : i32
    %dma_start3A_95 = tpu.memref_slice %arg7[%dma_start3A_81, %dma_start3A_93, %dma_start3A_94] : memref<4x224x128xf32, #tpu.memory_space<vmem>> -> memref<1x224x128xf32, #tpu.memory_space<vmem>>
    %dma_start3A_96 = tpu.memref_squeeze %dma_start3A_95 : memref<1x224x128xf32, #tpu.memory_space<vmem>> -> memref<224x128xf32, #tpu.memory_space<vmem>>
    %dma_start3A_97 = arith.constant 0 : i32
    %dma_start3A_98 = arith.constant 0 : i32
    %dma_start3A_99 = tpu.memref_slice %dma_start3A_96[%dma_start3A_97, %dma_start3A_98] : memref<224x128xf32, #tpu.memory_space<vmem>> -> memref<224x128xf32, #tpu.memory_space<vmem>>
    tpu.enqueue_dma source(%dma_start3A_99 : memref<224x128xf32, #tpu.memory_space<vmem>>) target(%dma_start3A_92 : memref<224x128xf32, #tpu.memory_space<hbm>>) target_semaphore(%arg12 : memref<!tpu.dma_semaphore, #tpu.memory_space<semaphore_mem>>)
    %dma_wait3A_100 = arith.constant 0 : i32
    %dma_wait3A_101 = arith.constant 0 : i32
    %dma_wait3A_102 = arith.constant 0 : i32
    %dma_wait3A_103 = tpu.memref_slice %arg7[%dma_wait3A_100, %dma_wait3A_101, %dma_wait3A_102] : memref<4x224x128xf32, #tpu.memory_space<vmem>> -> memref<1x224x128xf32, #tpu.memory_space<vmem>>
    %dma_wait3A_104 = tpu.memref_squeeze %dma_wait3A_103 : memref<1x224x128xf32, #tpu.memory_space<vmem>> -> memref<224x128xf32, #tpu.memory_space<vmem>>
    %dma_wait3A_105 = arith.constant 0 : i32
    %dma_wait3A_106 = arith.constant 0 : i32
    %dma_wait3A_107 = tpu.memref_slice %dma_wait3A_104[%dma_wait3A_105, %dma_wait3A_106] : memref<224x128xf32, #tpu.memory_space<vmem>> -> memref<224x128xf32, #tpu.memory_space<vmem>>
    %dma_wait3A_108 = arith.constant 0 : i32
    %dma_wait3A_109 = tpu.memref_slice %arg4[%add3A_80, %dma_wait3A_108] : memref<100000x128xf32, #tpu.memory_space<hbm>> -> memref<224x128xf32, #tpu.memory_space<hbm>>
    %dma_wait3A_110 = arith.constant 0 : i32
    %dma_wait3A_111 = tpu.memref_slice %arg4[%add3A_80, %dma_wait3A_110] : memref<100000x128xf32, #tpu.memory_space<hbm>> -> memref<224x128xf32, #tpu.memory_space<hbm>>
    %dma_wait3A_112 = arith.constant 0 : i32
    %dma_wait3A_113 = arith.constant 0 : i32
    %dma_wait3A_114 = tpu.memref_slice %arg7[%dma_wait3A_100, %dma_wait3A_112, %dma_wait3A_113] : memref<4x224x128xf32, #tpu.memory_space<vmem>> -> memref<1x224x128xf32, #tpu.memory_space<vmem>>
    %dma_wait3A_115 = tpu.memref_squeeze %dma_wait3A_114 : memref<1x224x128xf32, #tpu.memory_space<vmem>> -> memref<224x128xf32, #tpu.memory_space<vmem>>
    %dma_wait3A_116 = arith.constant 0 : i32
    %dma_wait3A_117 = arith.constant 0 : i32
    %dma_wait3A_118 = tpu.memref_slice %dma_wait3A_115[%dma_wait3A_116, %dma_wait3A_117] : memref<224x128xf32, #tpu.memory_space<vmem>> -> memref<224x128xf32, #tpu.memory_space<vmem>>
    tpu.wait_dma2 semaphore(%arg12 : memref<!tpu.dma_semaphore, #tpu.memory_space<semaphore_mem>>) src(%dma_wait3A_118 : memref<224x128xf32, #tpu.memory_space<vmem>>) dst(%dma_wait3A_111 : memref<224x128xf32, #tpu.memory_space<hbm>>)
    %dma_start3A_119 = arith.constant 0 : i32
    %dma_start3A_120 = arith.constant 0 : i32
    %dma_start3A_121 = arith.constant 0 : i32
    %dma_start3A_122 = tpu.memref_slice %arg7[%dma_start3A_119, %dma_start3A_120, %dma_start3A_121] : memref<4x224x128xf32, #tpu.memory_space<vmem>> -> memref<1x224x128xf32, #tpu.memory_space<vmem>>
    %dma_start3A_123 = tpu.memref_squeeze %dma_start3A_122 : memref<1x224x128xf32, #tpu.memory_space<vmem>> -> memref<224x128xf32, #tpu.memory_space<vmem>>
    %dma_start3A_124 = arith.constant 0 : i32
    %dma_start3A_125 = arith.constant 0 : i32
    %dma_start3A_126 = tpu.memref_slice %dma_start3A_123[%dma_start3A_124, %dma_start3A_125] : memref<224x128xf32, #tpu.memory_space<vmem>> -> memref<224x128xf32, #tpu.memory_space<vmem>>
    %dma_start3A_127 = arith.constant 896 : i32
    %dma_start3A_128 = tpu.memref_slice %arg6[%dma_start3A_127] : memref<3128xi32, #tpu.memory_space<vmem>> -> memref<224xi32, #tpu.memory_space<vmem>>
    %dma_start3A_129 = arith.constant 0 : i32
    %dma_start3A_130 = arith.constant 0 : i32
    %dma_start3A_131 = tpu.memref_slice %arg5[%dma_start3A_129, %dma_start3A_130] : memref<119x128xf32, #tpu.memory_space<vmem_shared>> -> memref<119x128xf32, #tpu.memory_space<vmem_shared>>
    tpu.enqueue_indirect_dma source(%dma_start3A_131 : memref<119x128xf32, #tpu.memory_space<vmem_shared>>) target(%dma_start3A_126 : memref<224x128xf32, #tpu.memory_space<vmem>>) offsets(%dma_start3A_128 : memref<224xi32, #tpu.memory_space<vmem>>) semaphore(%arg8 : memref<!tpu.dma_semaphore, #tpu.memory_space<semaphore_mem>>)
    %dma_wait3A_132 = arith.constant 1 : i32
    %dma_wait3A_133 = arith.constant 0 : i32
    %dma_wait3A_134 = arith.constant 0 : i32
    %dma_wait3A_135 = tpu.memref_slice %arg7[%dma_wait3A_132, %dma_wait3A_133, %dma_wait3A_134] : memref<4x224x128xf32, #tpu.memory_space<vmem>> -> memref<1x224x128xf32, #tpu.memory_space<vmem>>
    %dma_wait3A_136 = tpu.memref_squeeze %dma_wait3A_135 : memref<1x224x128xf32, #tpu.memory_space<vmem>> -> memref<224x128xf32, #tpu.memory_space<vmem>>
    %dma_wait3A_137 = arith.constant 0 : i32
    %dma_wait3A_138 = arith.constant 0 : i32
    %dma_wait3A_139 = tpu.memref_slice %dma_wait3A_136[%dma_wait3A_137, %dma_wait3A_138] : memref<224x128xf32, #tpu.memory_space<vmem>> -> memref<224x128xf32, #tpu.memory_space<vmem>>
    %dma_wait3A_140 = arith.constant 224 : i32
    %dma_wait3A_141 = tpu.memref_slice %arg6[%dma_wait3A_140] : memref<3128xi32, #tpu.memory_space<vmem>> -> memref<224xi32, #tpu.memory_space<vmem>>
    %dma_wait3A_142 = arith.constant 0 : i32
    %dma_wait3A_143 = arith.constant 0 : i32
    %dma_wait3A_144 = tpu.memref_slice %arg5[%dma_wait3A_142, %dma_wait3A_143] : memref<119x128xf32, #tpu.memory_space<vmem_shared>> -> memref<119x128xf32, #tpu.memory_space<vmem_shared>>
    tpu.wait_indirect_dma semaphore(%arg9 : memref<!tpu.dma_semaphore, #tpu.memory_space<semaphore_mem>>) src(%dma_wait3A_144 : memref<119x128xf32, #tpu.memory_space<vmem_shared>>) dst(%dma_wait3A_139 : memref<224x128xf32, #tpu.memory_space<vmem>>)
    %add3A_145 = arith.constant 224 : i32
    %add3A_146 = arith.addi %mul3A_2, %add3A_145 : i32
    %dma_start3A_147 = arith.constant 1 : i32
    %dma_start3A_148 = arith.constant 0 : i32
    %dma_start3A_149 = arith.constant 0 : i32
    %dma_start3A_150 = tpu.memref_slice %arg7[%dma_start3A_147, %dma_start3A_148, %dma_start3A_149] : memref<4x224x128xf32, #tpu.memory_space<vmem>> -> memref<1x224x128xf32, #tpu.memory_space<vmem>>
    %dma_start3A_151 = tpu.memref_squeeze %dma_start3A_150 : memref<1x224x128xf32, #tpu.memory_space<vmem>> -> memref<224x128xf32, #tpu.memory_space<vmem>>
    %dma_start3A_152 = arith.constant 0 : i32
    %dma_start3A_153 = arith.constant 0 : i32
    %dma_start3A_154 = tpu.memref_slice %dma_start3A_151[%dma_start3A_152, %dma_start3A_153] : memref<224x128xf32, #tpu.memory_space<vmem>> -> memref<224x128xf32, #tpu.memory_space<vmem>>
    %dma_start3A_155 = arith.constant 0 : i32
    %dma_start3A_156 = tpu.memref_slice %arg4[%add3A_146, %dma_start3A_155] : memref<100000x128xf32, #tpu.memory_space<hbm>> -> memref<224x128xf32, #tpu.memory_space<hbm>>
    %dma_start3A_157 = arith.constant 0 : i32
    %dma_start3A_158 = tpu.memref_slice %arg4[%add3A_146, %dma_start3A_157] : memref<100000x128xf32, #tpu.memory_space<hbm>> -> memref<224x128xf32, #tpu.memory_space<hbm>>
    %dma_start3A_159 = arith.constant 0 : i32
    %dma_start3A_160 = arith.constant 0 : i32
    %dma_start3A_161 = tpu.memref_slice %arg7[%dma_start3A_147, %dma_start3A_159, %dma_start3A_160] : memref<4x224x128xf32, #tpu.memory_space<vmem>> -> memref<1x224x128xf32, #tpu.memory_space<vmem>>
    %dma_start3A_162 = tpu.memref_squeeze %dma_start3A_161 : memref<1x224x128xf32, #tpu.memory_space<vmem>> -> memref<224x128xf32, #tpu.memory_space<vmem>>
    %dma_start3A_163 = arith.constant 0 : i32
    %dma_start3A_164 = arith.constant 0 : i32
    %dma_start3A_165 = tpu.memref_slice %dma_start3A_162[%dma_start3A_163, %dma_start3A_164] : memref<224x128xf32, #tpu.memory_space<vmem>> -> memref<224x128xf32, #tpu.memory_space<vmem>>
    tpu.enqueue_dma source(%dma_start3A_165 : memref<224x128xf32, #tpu.memory_space<vmem>>) target(%dma_start3A_158 : memref<224x128xf32, #tpu.memory_space<hbm>>) target_semaphore(%arg13 : memref<!tpu.dma_semaphore, #tpu.memory_space<semaphore_mem>>)
    %dma_wait3A_166 = arith.constant 1 : i32
    %dma_wait3A_167 = arith.constant 0 : i32
    %dma_wait3A_168 = arith.constant 0 : i32
    %dma_wait3A_169 = tpu.memref_slice %arg7[%dma_wait3A_166, %dma_wait3A_167, %dma_wait3A_168] : memref<4x224x128xf32, #tpu.memory_space<vmem>> -> memref<1x224x128xf32, #tpu.memory_space<vmem>>
    %dma_wait3A_170 = tpu.memref_squeeze %dma_wait3A_169 : memref<1x224x128xf32, #tpu.memory_space<vmem>> -> memref<224x128xf32, #tpu.memory_space<vmem>>
    %dma_wait3A_171 = arith.constant 0 : i32
    %dma_wait3A_172 = arith.constant 0 : i32
    %dma_wait3A_173 = tpu.memref_slice %dma_wait3A_170[%dma_wait3A_171, %dma_wait3A_172] : memref<224x128xf32, #tpu.memory_space<vmem>> -> memref<224x128xf32, #tpu.memory_space<vmem>>
    %dma_wait3A_174 = arith.constant 0 : i32
    %dma_wait3A_175 = tpu.memref_slice %arg4[%add3A_146, %dma_wait3A_174] : memref<100000x128xf32, #tpu.memory_space<hbm>> -> memref<224x128xf32, #tpu.memory_space<hbm>>
    %dma_wait3A_176 = arith.constant 0 : i32
    %dma_wait3A_177 = tpu.memref_slice %arg4[%add3A_146, %dma_wait3A_176] : memref<100000x128xf32, #tpu.memory_space<hbm>> -> memref<224x128xf32, #tpu.memory_space<hbm>>
    %dma_wait3A_178 = arith.constant 0 : i32
    %dma_wait3A_179 = arith.constant 0 : i32
    %dma_wait3A_180 = tpu.memref_slice %arg7[%dma_wait3A_166, %dma_wait3A_178, %dma_wait3A_179] : memref<4x224x128xf32, #tpu.memory_space<vmem>> -> memref<1x224x128xf32, #tpu.memory_space<vmem>>
    %dma_wait3A_181 = tpu.memref_squeeze %dma_wait3A_180 : memref<1x224x128xf32, #tpu.memory_space<vmem>> -> memref<224x128xf32, #tpu.memory_space<vmem>>
    %dma_wait3A_182 = arith.constant 0 : i32
    %dma_wait3A_183 = arith.constant 0 : i32
    %dma_wait3A_184 = tpu.memref_slice %dma_wait3A_181[%dma_wait3A_182, %dma_wait3A_183] : memref<224x128xf32, #tpu.memory_space<vmem>> -> memref<224x128xf32, #tpu.memory_space<vmem>>
    tpu.wait_dma2 semaphore(%arg13 : memref<!tpu.dma_semaphore, #tpu.memory_space<semaphore_mem>>) src(%dma_wait3A_184 : memref<224x128xf32, #tpu.memory_space<vmem>>) dst(%dma_wait3A_177 : memref<224x128xf32, #tpu.memory_space<hbm>>)
    %dma_start3A_185 = arith.constant 1 : i32
    %dma_start3A_186 = arith.constant 0 : i32
    %dma_start3A_187 = arith.constant 0 : i32
    %dma_start3A_188 = tpu.memref_slice %arg7[%dma_start3A_185, %dma_start3A_186, %dma_start3A_187] : memref<4x224x128xf32, #tpu.memory_space<vmem>> -> memref<1x224x128xf32, #tpu.memory_space<vmem>>
    %dma_start3A_189 = tpu.memref_squeeze %dma_start3A_188 : memref<1x224x128xf32, #tpu.memory_space<vmem>> -> memref<224x128xf32, #tpu.memory_space<vmem>>
    %dma_start3A_190 = arith.constant 0 : i32
    %dma_start3A_191 = arith.constant 0 : i32
    %dma_start3A_192 = tpu.memref_slice %dma_start3A_189[%dma_start3A_190, %dma_start3A_191] : memref<224x128xf32, #tpu.memory_space<vmem>> -> memref<224x128xf32, #tpu.memory_space<vmem>>
    %dma_start3A_193 = arith.constant 1120 : i32
    %dma_start3A_194 = tpu.memref_slice %arg6[%dma_start3A_193] : memref<3128xi32, #tpu.memory_space<vmem>> -> memref<224xi32, #tpu.memory_space<vmem>>
    %dma_start3A_195 = arith.constant 0 : i32
    %dma_start3A_196 = arith.constant 0 : i32
    %dma_start3A_197 = tpu.memref_slice %arg5[%dma_start3A_195, %dma_start3A_196] : memref<119x128xf32, #tpu.memory_space<vmem_shared>> -> memref<119x128xf32, #tpu.memory_space<vmem_shared>>
    tpu.enqueue_indirect_dma source(%dma_start3A_197 : memref<119x128xf32, #tpu.memory_space<vmem_shared>>) target(%dma_start3A_192 : memref<224x128xf32, #tpu.memory_space<vmem>>) offsets(%dma_start3A_194 : memref<224xi32, #tpu.memory_space<vmem>>) semaphore(%arg9 : memref<!tpu.dma_semaphore, #tpu.memory_space<semaphore_mem>>)
    %dma_wait3A_198 = arith.constant 2 : i32
    %dma_wait3A_199 = arith.constant 0 : i32
    %dma_wait3A_200 = arith.constant 0 : i32
    %dma_wait3A_201 = tpu.memref_slice %arg7[%dma_wait3A_198, %dma_wait3A_199, %dma_wait3A_200] : memref<4x224x128xf32, #tpu.memory_space<vmem>> -> memref<1x224x128xf32, #tpu.memory_space<vmem>>
    %dma_wait3A_202 = tpu.memref_squeeze %dma_wait3A_201 : memref<1x224x128xf32, #tpu.memory_space<vmem>> -> memref<224x128xf32, #tpu.memory_space<vmem>>
    %dma_wait3A_203 = arith.constant 0 : i32
    %dma_wait3A_204 = arith.constant 0 : i32
    %dma_wait3A_205 = tpu.memref_slice %dma_wait3A_202[%dma_wait3A_203, %dma_wait3A_204] : memref<224x128xf32, #tpu.memory_space<vmem>> -> memref<224x128xf32, #tpu.memory_space<vmem>>
    %dma_wait3A_206 = arith.constant 448 : i32
    %dma_wait3A_207 = tpu.memref_slice %arg6[%dma_wait3A_206] : memref<3128xi32, #tpu.memory_space<vmem>> -> memref<224xi32, #tpu.memory_space<vmem>>
    %dma_wait3A_208 = arith.constant 0 : i32
    %dma_wait3A_209 = arith.constant 0 : i32
    %dma_wait3A_210 = tpu.memref_slice %arg5[%dma_wait3A_208, %dma_wait3A_209] : memref<119x128xf32, #tpu.memory_space<vmem_shared>> -> memref<119x128xf32, #tpu.memory_space<vmem_shared>>
    tpu.wait_indirect_dma semaphore(%arg10 : memref<!tpu.dma_semaphore, #tpu.memory_space<semaphore_mem>>) src(%dma_wait3A_210 : memref<119x128xf32, #tpu.memory_space<vmem_shared>>) dst(%dma_wait3A_205 : memref<224x128xf32, #tpu.memory_space<vmem>>)
    %add3A_211 = arith.constant 448 : i32
    %add3A_212 = arith.addi %mul3A_2, %add3A_211 : i32
    %dma_start3A_213 = arith.constant 2 : i32
    %dma_start3A_214 = arith.constant 0 : i32
    %dma_start3A_215 = arith.constant 0 : i32
    %dma_start3A_216 = tpu.memref_slice %arg7[%dma_start3A_213, %dma_start3A_214, %dma_start3A_215] : memref<4x224x128xf32, #tpu.memory_space<vmem>> -> memref<1x224x128xf32, #tpu.memory_space<vmem>>
    %dma_start3A_217 = tpu.memref_squeeze %dma_start3A_216 : memref<1x224x128xf32, #tpu.memory_space<vmem>> -> memref<224x128xf32, #tpu.memory_space<vmem>>
    %dma_start3A_218 = arith.constant 0 : i32
    %dma_start3A_219 = arith.constant 0 : i32
    %dma_start3A_220 = tpu.memref_slice %dma_start3A_217[%dma_start3A_218, %dma_start3A_219] : memref<224x128xf32, #tpu.memory_space<vmem>> -> memref<224x128xf32, #tpu.memory_space<vmem>>
    %dma_start3A_221 = arith.constant 0 : i32
    %dma_start3A_222 = tpu.memref_slice %arg4[%add3A_212, %dma_start3A_221] : memref<100000x128xf32, #tpu.memory_space<hbm>> -> memref<224x128xf32, #tpu.memory_space<hbm>>
    %dma_start3A_223 = arith.constant 0 : i32
    %dma_start3A_224 = tpu.memref_slice %arg4[%add3A_212, %dma_start3A_223] : memref<100000x128xf32, #tpu.memory_space<hbm>> -> memref<224x128xf32, #tpu.memory_space<hbm>>
    %dma_start3A_225 = arith.constant 0 : i32
    %dma_start3A_226 = arith.constant 0 : i32
    %dma_start3A_227 = tpu.memref_slice %arg7[%dma_start3A_213, %dma_start3A_225, %dma_start3A_226] : memref<4x224x128xf32, #tpu.memory_space<vmem>> -> memref<1x224x128xf32, #tpu.memory_space<vmem>>
    %dma_start3A_228 = tpu.memref_squeeze %dma_start3A_227 : memref<1x224x128xf32, #tpu.memory_space<vmem>> -> memref<224x128xf32, #tpu.memory_space<vmem>>
    %dma_start3A_229 = arith.constant 0 : i32
    %dma_start3A_230 = arith.constant 0 : i32
    %dma_start3A_231 = tpu.memref_slice %dma_start3A_228[%dma_start3A_229, %dma_start3A_230] : memref<224x128xf32, #tpu.memory_space<vmem>> -> memref<224x128xf32, #tpu.memory_space<vmem>>
    tpu.enqueue_dma source(%dma_start3A_231 : memref<224x128xf32, #tpu.memory_space<vmem>>) target(%dma_start3A_224 : memref<224x128xf32, #tpu.memory_space<hbm>>) target_semaphore(%arg14 : memref<!tpu.dma_semaphore, #tpu.memory_space<semaphore_mem>>)
    %dma_wait3A_232 = arith.constant 2 : i32
    %dma_wait3A_233 = arith.constant 0 : i32
    %dma_wait3A_234 = arith.constant 0 : i32
    %dma_wait3A_235 = tpu.memref_slice %arg7[%dma_wait3A_232, %dma_wait3A_233, %dma_wait3A_234] : memref<4x224x128xf32, #tpu.memory_space<vmem>> -> memref<1x224x128xf32, #tpu.memory_space<vmem>>
    %dma_wait3A_236 = tpu.memref_squeeze %dma_wait3A_235 : memref<1x224x128xf32, #tpu.memory_space<vmem>> -> memref<224x128xf32, #tpu.memory_space<vmem>>
    %dma_wait3A_237 = arith.constant 0 : i32
    %dma_wait3A_238 = arith.constant 0 : i32
    %dma_wait3A_239 = tpu.memref_slice %dma_wait3A_236[%dma_wait3A_237, %dma_wait3A_238] : memref<224x128xf32, #tpu.memory_space<vmem>> -> memref<224x128xf32, #tpu.memory_space<vmem>>
    %dma_wait3A_240 = arith.constant 0 : i32
    %dma_wait3A_241 = tpu.memref_slice %arg4[%add3A_212, %dma_wait3A_240] : memref<100000x128xf32, #tpu.memory_space<hbm>> -> memref<224x128xf32, #tpu.memory_space<hbm>>
    %dma_wait3A_242 = arith.constant 0 : i32
    %dma_wait3A_243 = tpu.memref_slice %arg4[%add3A_212, %dma_wait3A_242] : memref<100000x128xf32, #tpu.memory_space<hbm>> -> memref<224x128xf32, #tpu.memory_space<hbm>>
    %dma_wait3A_244 = arith.constant 0 : i32
    %dma_wait3A_245 = arith.constant 0 : i32
    %dma_wait3A_246 = tpu.memref_slice %arg7[%dma_wait3A_232, %dma_wait3A_244, %dma_wait3A_245] : memref<4x224x128xf32, #tpu.memory_space<vmem>> -> memref<1x224x128xf32, #tpu.memory_space<vmem>>
    %dma_wait3A_247 = tpu.memref_squeeze %dma_wait3A_246 : memref<1x224x128xf32, #tpu.memory_space<vmem>> -> memref<224x128xf32, #tpu.memory_space<vmem>>
    %dma_wait3A_248 = arith.constant 0 : i32
    %dma_wait3A_249 = arith.constant 0 : i32
    %dma_wait3A_250 = tpu.memref_slice %dma_wait3A_247[%dma_wait3A_248, %dma_wait3A_249] : memref<224x128xf32, #tpu.memory_space<vmem>> -> memref<224x128xf32, #tpu.memory_space<vmem>>
    tpu.wait_dma2 semaphore(%arg14 : memref<!tpu.dma_semaphore, #tpu.memory_space<semaphore_mem>>) src(%dma_wait3A_250 : memref<224x128xf32, #tpu.memory_space<vmem>>) dst(%dma_wait3A_243 : memref<224x128xf32, #tpu.memory_space<hbm>>)
    %dma_start3A_251 = arith.constant 2 : i32
    %dma_start3A_252 = arith.constant 0 : i32
    %dma_start3A_253 = arith.constant 0 : i32
    %dma_start3A_254 = tpu.memref_slice %arg7[%dma_start3A_251, %dma_start3A_252, %dma_start3A_253] : memref<4x224x128xf32, #tpu.memory_space<vmem>> -> memref<1x224x128xf32, #tpu.memory_space<vmem>>
    %dma_start3A_255 = tpu.memref_squeeze %dma_start3A_254 : memref<1x224x128xf32, #tpu.memory_space<vmem>> -> memref<224x128xf32, #tpu.memory_space<vmem>>
    %dma_start3A_256 = arith.constant 0 : i32
    %dma_start3A_257 = arith.constant 0 : i32
    %dma_start3A_258 = tpu.memref_slice %dma_start3A_255[%dma_start3A_256, %dma_start3A_257] : memref<224x128xf32, #tpu.memory_space<vmem>> -> memref<224x128xf32, #tpu.memory_space<vmem>>
    %dma_start3A_259 = arith.constant 1344 : i32
    %dma_start3A_260 = tpu.memref_slice %arg6[%dma_start3A_259] : memref<3128xi32, #tpu.memory_space<vmem>> -> memref<224xi32, #tpu.memory_space<vmem>>
    %dma_start3A_261 = arith.constant 0 : i32
    %dma_start3A_262 = arith.constant 0 : i32
    %dma_start3A_263 = tpu.memref_slice %arg5[%dma_start3A_261, %dma_start3A_262] : memref<119x128xf32, #tpu.memory_space<vmem_shared>> -> memref<119x128xf32, #tpu.memory_space<vmem_shared>>
    tpu.enqueue_indirect_dma source(%dma_start3A_263 : memref<119x128xf32, #tpu.memory_space<vmem_shared>>) target(%dma_start3A_258 : memref<224x128xf32, #tpu.memory_space<vmem>>) offsets(%dma_start3A_260 : memref<224xi32, #tpu.memory_space<vmem>>) semaphore(%arg10 : memref<!tpu.dma_semaphore, #tpu.memory_space<semaphore_mem>>)
    %dma_wait3A_264 = arith.constant 3 : i32
    %dma_wait3A_265 = arith.constant 0 : i32
    %dma_wait3A_266 = arith.constant 0 : i32
    %dma_wait3A_267 = tpu.memref_slice %arg7[%dma_wait3A_264, %dma_wait3A_265, %dma_wait3A_266] : memref<4x224x128xf32, #tpu.memory_space<vmem>> -> memref<1x224x128xf32, #tpu.memory_space<vmem>>
    %dma_wait3A_268 = tpu.memref_squeeze %dma_wait3A_267 : memref<1x224x128xf32, #tpu.memory_space<vmem>> -> memref<224x128xf32, #tpu.memory_space<vmem>>
    %dma_wait3A_269 = arith.constant 0 : i32
    %dma_wait3A_270 = arith.constant 0 : i32
    %dma_wait3A_271 = tpu.memref_slice %dma_wait3A_268[%dma_wait3A_269, %dma_wait3A_270] : memref<224x128xf32, #tpu.memory_space<vmem>> -> memref<224x128xf32, #tpu.memory_space<vmem>>
    %dma_wait3A_272 = arith.constant 672 : i32
    %dma_wait3A_273 = tpu.memref_slice %arg6[%dma_wait3A_272] : memref<3128xi32, #tpu.memory_space<vmem>> -> memref<224xi32, #tpu.memory_space<vmem>>
    %dma_wait3A_274 = arith.constant 0 : i32
    %dma_wait3A_275 = arith.constant 0 : i32
    %dma_wait3A_276 = tpu.memref_slice %arg5[%dma_wait3A_274, %dma_wait3A_275] : memref<119x128xf32, #tpu.memory_space<vmem_shared>> -> memref<119x128xf32, #tpu.memory_space<vmem_shared>>
    tpu.wait_indirect_dma semaphore(%arg11 : memref<!tpu.dma_semaphore, #tpu.memory_space<semaphore_mem>>) src(%dma_wait3A_276 : memref<119x128xf32, #tpu.memory_space<vmem_shared>>) dst(%dma_wait3A_271 : memref<224x128xf32, #tpu.memory_space<vmem>>)
    %add3A_277 = arith.constant 672 : i32
    %add3A_278 = arith.addi %mul3A_2, %add3A_277 : i32
    %dma_start3A_279 = arith.constant 3 : i32
    %dma_start3A_280 = arith.constant 0 : i32
    %dma_start3A_281 = arith.constant 0 : i32
    %dma_start3A_282 = tpu.memref_slice %arg7[%dma_start3A_279, %dma_start3A_280, %dma_start3A_281] : memref<4x224x128xf32, #tpu.memory_space<vmem>> -> memref<1x224x128xf32, #tpu.memory_space<vmem>>
    %dma_start3A_283 = tpu.memref_squeeze %dma_start3A_282 : memref<1x224x128xf32, #tpu.memory_space<vmem>> -> memref<224x128xf32, #tpu.memory_space<vmem>>
    %dma_start3A_284 = arith.constant 0 : i32
    %dma_start3A_285 = arith.constant 0 : i32
    %dma_start3A_286 = tpu.memref_slice %dma_start3A_283[%dma_start3A_284, %dma_start3A_285] : memref<224x128xf32, #tpu.memory_space<vmem>> -> memref<224x128xf32, #tpu.memory_space<vmem>>
    %dma_start3A_287 = arith.constant 0 : i32
    %dma_start3A_288 = tpu.memref_slice %arg4[%add3A_278, %dma_start3A_287] : memref<100000x128xf32, #tpu.memory_space<hbm>> -> memref<224x128xf32, #tpu.memory_space<hbm>>
    %dma_start3A_289 = arith.constant 0 : i32
    %dma_start3A_290 = tpu.memref_slice %arg4[%add3A_278, %dma_start3A_289] : memref<100000x128xf32, #tpu.memory_space<hbm>> -> memref<224x128xf32, #tpu.memory_space<hbm>>
    %dma_start3A_291 = arith.constant 0 : i32
    %dma_start3A_292 = arith.constant 0 : i32
    %dma_start3A_293 = tpu.memref_slice %arg7[%dma_start3A_279, %dma_start3A_291, %dma_start3A_292] : memref<4x224x128xf32, #tpu.memory_space<vmem>> -> memref<1x224x128xf32, #tpu.memory_space<vmem>>
    %dma_start3A_294 = tpu.memref_squeeze %dma_start3A_293 : memref<1x224x128xf32, #tpu.memory_space<vmem>> -> memref<224x128xf32, #tpu.memory_space<vmem>>
    %dma_start3A_295 = arith.constant 0 : i32
    %dma_start3A_296 = arith.constant 0 : i32
    %dma_start3A_297 = tpu.memref_slice %dma_start3A_294[%dma_start3A_295, %dma_start3A_296] : memref<224x128xf32, #tpu.memory_space<vmem>> -> memref<224x128xf32, #tpu.memory_space<vmem>>
    tpu.enqueue_dma source(%dma_start3A_297 : memref<224x128xf32, #tpu.memory_space<vmem>>) target(%dma_start3A_290 : memref<224x128xf32, #tpu.memory_space<hbm>>) target_semaphore(%arg15 : memref<!tpu.dma_semaphore, #tpu.memory_space<semaphore_mem>>)
    %dma_wait3A_298 = arith.constant 3 : i32
    %dma_wait3A_299 = arith.constant 0 : i32
    %dma_wait3A_300 = arith.constant 0 : i32
    %dma_wait3A_301 = tpu.memref_slice %arg7[%dma_wait3A_298, %dma_wait3A_299, %dma_wait3A_300] : memref<4x224x128xf32, #tpu.memory_space<vmem>> -> memref<1x224x128xf32, #tpu.memory_space<vmem>>
    %dma_wait3A_302 = tpu.memref_squeeze %dma_wait3A_301 : memref<1x224x128xf32, #tpu.memory_space<vmem>> -> memref<224x128xf32, #tpu.memory_space<vmem>>
    %dma_wait3A_303 = arith.constant 0 : i32
    %dma_wait3A_304 = arith.constant 0 : i32
    %dma_wait3A_305 = tpu.memref_slice %dma_wait3A_302[%dma_wait3A_303, %dma_wait3A_304] : memref<224x128xf32, #tpu.memory_space<vmem>> -> memref<224x128xf32, #tpu.memory_space<vmem>>
    %dma_wait3A_306 = arith.constant 0 : i32
    %dma_wait3A_307 = tpu.memref_slice %arg4[%add3A_278, %dma_wait3A_306] : memref<100000x128xf32, #tpu.memory_space<hbm>> -> memref<224x128xf32, #tpu.memory_space<hbm>>
    %dma_wait3A_308 = arith.constant 0 : i32
    %dma_wait3A_309 = tpu.memref_slice %arg4[%add3A_278, %dma_wait3A_308] : memref<100000x128xf32, #tpu.memory_space<hbm>> -> memref<224x128xf32, #tpu.memory_space<hbm>>
    %dma_wait3A_310 = arith.constant 0 : i32
    %dma_wait3A_311 = arith.constant 0 : i32
    %dma_wait3A_312 = tpu.memref_slice %arg7[%dma_wait3A_298, %dma_wait3A_310, %dma_wait3A_311] : memref<4x224x128xf32, #tpu.memory_space<vmem>> -> memref<1x224x128xf32, #tpu.memory_space<vmem>>
    %dma_wait3A_313 = tpu.memref_squeeze %dma_wait3A_312 : memref<1x224x128xf32, #tpu.memory_space<vmem>> -> memref<224x128xf32, #tpu.memory_space<vmem>>
    %dma_wait3A_314 = arith.constant 0 : i32
    %dma_wait3A_315 = arith.constant 0 : i32
    %dma_wait3A_316 = tpu.memref_slice %dma_wait3A_313[%dma_wait3A_314, %dma_wait3A_315] : memref<224x128xf32, #tpu.memory_space<vmem>> -> memref<224x128xf32, #tpu.memory_space<vmem>>
    tpu.wait_dma2 semaphore(%arg15 : memref<!tpu.dma_semaphore, #tpu.memory_space<semaphore_mem>>) src(%dma_wait3A_316 : memref<224x128xf32, #tpu.memory_space<vmem>>) dst(%dma_wait3A_309 : memref<224x128xf32, #tpu.memory_space<hbm>>)
    %dma_start3A_317 = arith.constant 3 : i32
    %dma_start3A_318 = arith.constant 0 : i32
    %dma_start3A_319 = arith.constant 0 : i32
    %dma_start3A_320 = tpu.memref_slice %arg7[%dma_start3A_317, %dma_start3A_318, %dma_start3A_319] : memref<4x224x128xf32, #tpu.memory_space<vmem>> -> memref<1x224x128xf32, #tpu.memory_space<vmem>>
    %dma_start3A_321 = tpu.memref_squeeze %dma_start3A_320 : memref<1x224x128xf32, #tpu.memory_space<vmem>> -> memref<224x128xf32, #tpu.memory_space<vmem>>
    %dma_start3A_322 = arith.constant 0 : i32
    %dma_start3A_323 = arith.constant 0 : i32
    %dma_start3A_324 = tpu.memref_slice %dma_start3A_321[%dma_start3A_322, %dma_start3A_323] : memref<224x128xf32, #tpu.memory_space<vmem>> -> memref<224x128xf32, #tpu.memory_space<vmem>>
    %dma_start3A_325 = arith.constant 1568 : i32
    %dma_start3A_326 = tpu.memref_slice %arg6[%dma_start3A_325] : memref<3128xi32, #tpu.memory_space<vmem>> -> memref<224xi32, #tpu.memory_space<vmem>>
    %dma_start3A_327 = arith.constant 0 : i32
    %dma_start3A_328 = arith.constant 0 : i32
    %dma_start3A_329 = tpu.memref_slice %arg5[%dma_start3A_327, %dma_start3A_328] : memref<119x128xf32, #tpu.memory_space<vmem_shared>> -> memref<119x128xf32, #tpu.memory_space<vmem_shared>>
    tpu.enqueue_indirect_dma source(%dma_start3A_329 : memref<119x128xf32, #tpu.memory_space<vmem_shared>>) target(%dma_start3A_324 : memref<224x128xf32, #tpu.memory_space<vmem>>) offsets(%dma_start3A_326 : memref<224xi32, #tpu.memory_space<vmem>>) semaphore(%arg11 : memref<!tpu.dma_semaphore, #tpu.memory_space<semaphore_mem>>)
    %dma_wait3A_330 = arith.constant 0 : i32
    %dma_wait3A_331 = arith.constant 0 : i32
    %dma_wait3A_332 = arith.constant 0 : i32
    %dma_wait3A_333 = tpu.memref_slice %arg7[%dma_wait3A_330, %dma_wait3A_331, %dma_wait3A_332] : memref<4x224x128xf32, #tpu.memory_space<vmem>> -> memref<1x224x128xf32, #tpu.memory_space<vmem>>
    %dma_wait3A_334 = tpu.memref_squeeze %dma_wait3A_333 : memref<1x224x128xf32, #tpu.memory_space<vmem>> -> memref<224x128xf32, #tpu.memory_space<vmem>>
    %dma_wait3A_335 = arith.constant 0 : i32
    %dma_wait3A_336 = arith.constant 0 : i32
    %dma_wait3A_337 = tpu.memref_slice %dma_wait3A_334[%dma_wait3A_335, %dma_wait3A_336] : memref<224x128xf32, #tpu.memory_space<vmem>> -> memref<224x128xf32, #tpu.memory_space<vmem>>
    %dma_wait3A_338 = arith.constant 896 : i32
    %dma_wait3A_339 = tpu.memref_slice %arg6[%dma_wait3A_338] : memref<3128xi32, #tpu.memory_space<vmem>> -> memref<224xi32, #tpu.memory_space<vmem>>
    %dma_wait3A_340 = arith.constant 0 : i32
    %dma_wait3A_341 = arith.constant 0 : i32
    %dma_wait3A_342 = tpu.memref_slice %arg5[%dma_wait3A_340, %dma_wait3A_341] : memref<119x128xf32, #tpu.memory_space<vmem_shared>> -> memref<119x128xf32, #tpu.memory_space<vmem_shared>>
    tpu.wait_indirect_dma semaphore(%arg8 : memref<!tpu.dma_semaphore, #tpu.memory_space<semaphore_mem>>) src(%dma_wait3A_342 : memref<119x128xf32, #tpu.memory_space<vmem_shared>>) dst(%dma_wait3A_337 : memref<224x128xf32, #tpu.memory_space<vmem>>)
    %add3A_343 = arith.constant 896 : i32
    %add3A_344 = arith.addi %mul3A_2, %add3A_343 : i32
    %dma_start3A_345 = arith.constant 0 : i32
    %dma_start3A_346 = arith.constant 0 : i32
    %dma_start3A_347 = arith.constant 0 : i32
    %dma_start3A_348 = tpu.memref_slice %arg7[%dma_start3A_345, %dma_start3A_346, %dma_start3A_347] : memref<4x224x128xf32, #tpu.memory_space<vmem>> -> memref<1x224x128xf32, #tpu.memory_space<vmem>>
    %dma_start3A_349 = tpu.memref_squeeze %dma_start3A_348 : memref<1x224x128xf32, #tpu.memory_space<vmem>> -> memref<224x128xf32, #tpu.memory_space<vmem>>
    %dma_start3A_350 = arith.constant 0 : i32
    %dma_start3A_351 = arith.constant 0 : i32
    %dma_start3A_352 = tpu.memref_slice %dma_start3A_349[%dma_start3A_350, %dma_start3A_351] : memref<224x128xf32, #tpu.memory_space<vmem>> -> memref<224x128xf32, #tpu.memory_space<vmem>>
    %dma_start3A_353 = arith.constant 0 : i32
    %dma_start3A_354 = tpu.memref_slice %arg4[%add3A_344, %dma_start3A_353] : memref<100000x128xf32, #tpu.memory_space<hbm>> -> memref<224x128xf32, #tpu.memory_space<hbm>>
    %dma_start3A_355 = arith.constant 0 : i32
    %dma_start3A_356 = tpu.memref_slice %arg4[%add3A_344, %dma_start3A_355] : memref<100000x128xf32, #tpu.memory_space<hbm>> -> memref<224x128xf32, #tpu.memory_space<hbm>>
    %dma_start3A_357 = arith.constant 0 : i32
    %dma_start3A_358 = arith.constant 0 : i32
    %dma_start3A_359 = tpu.memref_slice %arg7[%dma_start3A_345, %dma_start3A_357, %dma_start3A_358] : memref<4x224x128xf32, #tpu.memory_space<vmem>> -> memref<1x224x128xf32, #tpu.memory_space<vmem>>
    %dma_start3A_360 = tpu.memref_squeeze %dma_start3A_359 : memref<1x224x128xf32, #tpu.memory_space<vmem>> -> memref<224x128xf32, #tpu.memory_space<vmem>>
    %dma_start3A_361 = arith.constant 0 : i32
    %dma_start3A_362 = arith.constant 0 : i32
    %dma_start3A_363 = tpu.memref_slice %dma_start3A_360[%dma_start3A_361, %dma_start3A_362] : memref<224x128xf32, #tpu.memory_space<vmem>> -> memref<224x128xf32, #tpu.memory_space<vmem>>
    tpu.enqueue_dma source(%dma_start3A_363 : memref<224x128xf32, #tpu.memory_space<vmem>>) target(%dma_start3A_356 : memref<224x128xf32, #tpu.memory_space<hbm>>) target_semaphore(%arg12 : memref<!tpu.dma_semaphore, #tpu.memory_space<semaphore_mem>>)
    %dma_wait3A_364 = arith.constant 0 : i32
    %dma_wait3A_365 = arith.constant 0 : i32
    %dma_wait3A_366 = arith.constant 0 : i32
    %dma_wait3A_367 = tpu.memref_slice %arg7[%dma_wait3A_364, %dma_wait3A_365, %dma_wait3A_366] : memref<4x224x128xf32, #tpu.memory_space<vmem>> -> memref<1x224x128xf32, #tpu.memory_space<vmem>>
    %dma_wait3A_368 = tpu.memref_squeeze %dma_wait3A_367 : memref<1x224x128xf32, #tpu.memory_space<vmem>> -> memref<224x128xf32, #tpu.memory_space<vmem>>
    %dma_wait3A_369 = arith.constant 0 : i32
    %dma_wait3A_370 = arith.constant 0 : i32
    %dma_wait3A_371 = tpu.memref_slice %dma_wait3A_368[%dma_wait3A_369, %dma_wait3A_370] : memref<224x128xf32, #tpu.memory_space<vmem>> -> memref<224x128xf32, #tpu.memory_space<vmem>>
    %dma_wait3A_372 = arith.constant 0 : i32
    %dma_wait3A_373 = tpu.memref_slice %arg4[%add3A_344, %dma_wait3A_372] : memref<100000x128xf32, #tpu.memory_space<hbm>> -> memref<224x128xf32, #tpu.memory_space<hbm>>
    %dma_wait3A_374 = arith.constant 0 : i32
    %dma_wait3A_375 = tpu.memref_slice %arg4[%add3A_344, %dma_wait3A_374] : memref<100000x128xf32, #tpu.memory_space<hbm>> -> memref<224x128xf32, #tpu.memory_space<hbm>>
    %dma_wait3A_376 = arith.constant 0 : i32
    %dma_wait3A_377 = arith.constant 0 : i32
    %dma_wait3A_378 = tpu.memref_slice %arg7[%dma_wait3A_364, %dma_wait3A_376, %dma_wait3A_377] : memref<4x224x128xf32, #tpu.memory_space<vmem>> -> memref<1x224x128xf32, #tpu.memory_space<vmem>>
    %dma_wait3A_379 = tpu.memref_squeeze %dma_wait3A_378 : memref<1x224x128xf32, #tpu.memory_space<vmem>> -> memref<224x128xf32, #tpu.memory_space<vmem>>
    %dma_wait3A_380 = arith.constant 0 : i32
    %dma_wait3A_381 = arith.constant 0 : i32
    %dma_wait3A_382 = tpu.memref_slice %dma_wait3A_379[%dma_wait3A_380, %dma_wait3A_381] : memref<224x128xf32, #tpu.memory_space<vmem>> -> memref<224x128xf32, #tpu.memory_space<vmem>>
    tpu.wait_dma2 semaphore(%arg12 : memref<!tpu.dma_semaphore, #tpu.memory_space<semaphore_mem>>) src(%dma_wait3A_382 : memref<224x128xf32, #tpu.memory_space<vmem>>) dst(%dma_wait3A_375 : memref<224x128xf32, #tpu.memory_space<hbm>>)
    %dma_start3A_383 = arith.constant 0 : i32
    %dma_start3A_384 = arith.constant 0 : i32
    %dma_start3A_385 = arith.constant 0 : i32
    %dma_start3A_386 = tpu.memref_slice %arg7[%dma_start3A_383, %dma_start3A_384, %dma_start3A_385] : memref<4x224x128xf32, #tpu.memory_space<vmem>> -> memref<1x224x128xf32, #tpu.memory_space<vmem>>
    %dma_start3A_387 = tpu.memref_squeeze %dma_start3A_386 : memref<1x224x128xf32, #tpu.memory_space<vmem>> -> memref<224x128xf32, #tpu.memory_space<vmem>>
    %dma_start3A_388 = arith.constant 0 : i32
    %dma_start3A_389 = arith.constant 0 : i32
    %dma_start3A_390 = tpu.memref_slice %dma_start3A_387[%dma_start3A_388, %dma_start3A_389] : memref<224x128xf32, #tpu.memory_space<vmem>> -> memref<224x128xf32, #tpu.memory_space<vmem>>
    %dma_start3A_391 = arith.constant 1792 : i32
    %dma_start3A_392 = tpu.memref_slice %arg6[%dma_start3A_391] : memref<3128xi32, #tpu.memory_space<vmem>> -> memref<224xi32, #tpu.memory_space<vmem>>
    %dma_start3A_393 = arith.constant 0 : i32
    %dma_start3A_394 = arith.constant 0 : i32
    %dma_start3A_395 = tpu.memref_slice %arg5[%dma_start3A_393, %dma_start3A_394] : memref<119x128xf32, #tpu.memory_space<vmem_shared>> -> memref<119x128xf32, #tpu.memory_space<vmem_shared>>
    tpu.enqueue_indirect_dma source(%dma_start3A_395 : memref<119x128xf32, #tpu.memory_space<vmem_shared>>) target(%dma_start3A_390 : memref<224x128xf32, #tpu.memory_space<vmem>>) offsets(%dma_start3A_392 : memref<224xi32, #tpu.memory_space<vmem>>) semaphore(%arg8 : memref<!tpu.dma_semaphore, #tpu.memory_space<semaphore_mem>>)
    %dma_wait3A_396 = arith.constant 1 : i32
    %dma_wait3A_397 = arith.constant 0 : i32
    %dma_wait3A_398 = arith.constant 0 : i32
    %dma_wait3A_399 = tpu.memref_slice %arg7[%dma_wait3A_396, %dma_wait3A_397, %dma_wait3A_398] : memref<4x224x128xf32, #tpu.memory_space<vmem>> -> memref<1x224x128xf32, #tpu.memory_space<vmem>>
    %dma_wait3A_400 = tpu.memref_squeeze %dma_wait3A_399 : memref<1x224x128xf32, #tpu.memory_space<vmem>> -> memref<224x128xf32, #tpu.memory_space<vmem>>
    %dma_wait3A_401 = arith.constant 0 : i32
    %dma_wait3A_402 = arith.constant 0 : i32
    %dma_wait3A_403 = tpu.memref_slice %dma_wait3A_400[%dma_wait3A_401, %dma_wait3A_402] : memref<224x128xf32, #tpu.memory_space<vmem>> -> memref<224x128xf32, #tpu.memory_space<vmem>>
    %dma_wait3A_404 = arith.constant 1120 : i32
    %dma_wait3A_405 = tpu.memref_slice %arg6[%dma_wait3A_404] : memref<3128xi32, #tpu.memory_space<vmem>> -> memref<224xi32, #tpu.memory_space<vmem>>
    %dma_wait3A_406 = arith.constant 0 : i32
    %dma_wait3A_407 = arith.constant 0 : i32
    %dma_wait3A_408 = tpu.memref_slice %arg5[%dma_wait3A_406, %dma_wait3A_407] : memref<119x128xf32, #tpu.memory_space<vmem_shared>> -> memref<119x128xf32, #tpu.memory_space<vmem_shared>>
    tpu.wait_indirect_dma semaphore(%arg9 : memref<!tpu.dma_semaphore, #tpu.memory_space<semaphore_mem>>) src(%dma_wait3A_408 : memref<119x128xf32, #tpu.memory_space<vmem_shared>>) dst(%dma_wait3A_403 : memref<224x128xf32, #tpu.memory_space<vmem>>)
    %add3A_409 = arith.constant 1120 : i32
    %add3A_410 = arith.addi %mul3A_2, %add3A_409 : i32
    %dma_start3A_411 = arith.constant 1 : i32
    %dma_start3A_412 = arith.constant 0 : i32
    %dma_start3A_413 = arith.constant 0 : i32
    %dma_start3A_414 = tpu.memref_slice %arg7[%dma_start3A_411, %dma_start3A_412, %dma_start3A_413] : memref<4x224x128xf32, #tpu.memory_space<vmem>> -> memref<1x224x128xf32, #tpu.memory_space<vmem>>
    %dma_start3A_415 = tpu.memref_squeeze %dma_start3A_414 : memref<1x224x128xf32, #tpu.memory_space<vmem>> -> memref<224x128xf32, #tpu.memory_space<vmem>>
    %dma_start3A_416 = arith.constant 0 : i32
    %dma_start3A_417 = arith.constant 0 : i32
    %dma_start3A_418 = tpu.memref_slice %dma_start3A_415[%dma_start3A_416, %dma_start3A_417] : memref<224x128xf32, #tpu.memory_space<vmem>> -> memref<224x128xf32, #tpu.memory_space<vmem>>
    %dma_start3A_419 = arith.constant 0 : i32
    %dma_start3A_420 = tpu.memref_slice %arg4[%add3A_410, %dma_start3A_419] : memref<100000x128xf32, #tpu.memory_space<hbm>> -> memref<224x128xf32, #tpu.memory_space<hbm>>
    %dma_start3A_421 = arith.constant 0 : i32
    %dma_start3A_422 = tpu.memref_slice %arg4[%add3A_410, %dma_start3A_421] : memref<100000x128xf32, #tpu.memory_space<hbm>> -> memref<224x128xf32, #tpu.memory_space<hbm>>
    %dma_start3A_423 = arith.constant 0 : i32
    %dma_start3A_424 = arith.constant 0 : i32
    %dma_start3A_425 = tpu.memref_slice %arg7[%dma_start3A_411, %dma_start3A_423, %dma_start3A_424] : memref<4x224x128xf32, #tpu.memory_space<vmem>> -> memref<1x224x128xf32, #tpu.memory_space<vmem>>
    %dma_start3A_426 = tpu.memref_squeeze %dma_start3A_425 : memref<1x224x128xf32, #tpu.memory_space<vmem>> -> memref<224x128xf32, #tpu.memory_space<vmem>>
    %dma_start3A_427 = arith.constant 0 : i32
    %dma_start3A_428 = arith.constant 0 : i32
    %dma_start3A_429 = tpu.memref_slice %dma_start3A_426[%dma_start3A_427, %dma_start3A_428] : memref<224x128xf32, #tpu.memory_space<vmem>> -> memref<224x128xf32, #tpu.memory_space<vmem>>
    tpu.enqueue_dma source(%dma_start3A_429 : memref<224x128xf32, #tpu.memory_space<vmem>>) target(%dma_start3A_422 : memref<224x128xf32, #tpu.memory_space<hbm>>) target_semaphore(%arg13 : memref<!tpu.dma_semaphore, #tpu.memory_space<semaphore_mem>>)
    %dma_wait3A_430 = arith.constant 1 : i32
    %dma_wait3A_431 = arith.constant 0 : i32
    %dma_wait3A_432 = arith.constant 0 : i32
    %dma_wait3A_433 = tpu.memref_slice %arg7[%dma_wait3A_430, %dma_wait3A_431, %dma_wait3A_432] : memref<4x224x128xf32, #tpu.memory_space<vmem>> -> memref<1x224x128xf32, #tpu.memory_space<vmem>>
    %dma_wait3A_434 = tpu.memref_squeeze %dma_wait3A_433 : memref<1x224x128xf32, #tpu.memory_space<vmem>> -> memref<224x128xf32, #tpu.memory_space<vmem>>
    %dma_wait3A_435 = arith.constant 0 : i32
    %dma_wait3A_436 = arith.constant 0 : i32
    %dma_wait3A_437 = tpu.memref_slice %dma_wait3A_434[%dma_wait3A_435, %dma_wait3A_436] : memref<224x128xf32, #tpu.memory_space<vmem>> -> memref<224x128xf32, #tpu.memory_space<vmem>>
    %dma_wait3A_438 = arith.constant 0 : i32
    %dma_wait3A_439 = tpu.memref_slice %arg4[%add3A_410, %dma_wait3A_438] : memref<100000x128xf32, #tpu.memory_space<hbm>> -> memref<224x128xf32, #tpu.memory_space<hbm>>
    %dma_wait3A_440 = arith.constant 0 : i32
    %dma_wait3A_441 = tpu.memref_slice %arg4[%add3A_410, %dma_wait3A_440] : memref<100000x128xf32, #tpu.memory_space<hbm>> -> memref<224x128xf32, #tpu.memory_space<hbm>>
    %dma_wait3A_442 = arith.constant 0 : i32
    %dma_wait3A_443 = arith.constant 0 : i32
    %dma_wait3A_444 = tpu.memref_slice %arg7[%dma_wait3A_430, %dma_wait3A_442, %dma_wait3A_443] : memref<4x224x128xf32, #tpu.memory_space<vmem>> -> memref<1x224x128xf32, #tpu.memory_space<vmem>>
    %dma_wait3A_445 = tpu.memref_squeeze %dma_wait3A_444 : memref<1x224x128xf32, #tpu.memory_space<vmem>> -> memref<224x128xf32, #tpu.memory_space<vmem>>
    %dma_wait3A_446 = arith.constant 0 : i32
    %dma_wait3A_447 = arith.constant 0 : i32
    %dma_wait3A_448 = tpu.memref_slice %dma_wait3A_445[%dma_wait3A_446, %dma_wait3A_447] : memref<224x128xf32, #tpu.memory_space<vmem>> -> memref<224x128xf32, #tpu.memory_space<vmem>>
    tpu.wait_dma2 semaphore(%arg13 : memref<!tpu.dma_semaphore, #tpu.memory_space<semaphore_mem>>) src(%dma_wait3A_448 : memref<224x128xf32, #tpu.memory_space<vmem>>) dst(%dma_wait3A_441 : memref<224x128xf32, #tpu.memory_space<hbm>>)
    %dma_start3A_449 = arith.constant 1 : i32
    %dma_start3A_450 = arith.constant 0 : i32
    %dma_start3A_451 = arith.constant 0 : i32
    %dma_start3A_452 = tpu.memref_slice %arg7[%dma_start3A_449, %dma_start3A_450, %dma_start3A_451] : memref<4x224x128xf32, #tpu.memory_space<vmem>> -> memref<1x224x128xf32, #tpu.memory_space<vmem>>
    %dma_start3A_453 = tpu.memref_squeeze %dma_start3A_452 : memref<1x224x128xf32, #tpu.memory_space<vmem>> -> memref<224x128xf32, #tpu.memory_space<vmem>>
    %dma_start3A_454 = arith.constant 0 : i32
    %dma_start3A_455 = arith.constant 0 : i32
    %dma_start3A_456 = tpu.memref_slice %dma_start3A_453[%dma_start3A_454, %dma_start3A_455] : memref<224x128xf32, #tpu.memory_space<vmem>> -> memref<224x128xf32, #tpu.memory_space<vmem>>
    %dma_start3A_457 = arith.constant 2016 : i32
    %dma_start3A_458 = tpu.memref_slice %arg6[%dma_start3A_457] : memref<3128xi32, #tpu.memory_space<vmem>> -> memref<224xi32, #tpu.memory_space<vmem>>
    %dma_start3A_459 = arith.constant 0 : i32
    %dma_start3A_460 = arith.constant 0 : i32
    %dma_start3A_461 = tpu.memref_slice %arg5[%dma_start3A_459, %dma_start3A_460] : memref<119x128xf32, #tpu.memory_space<vmem_shared>> -> memref<119x128xf32, #tpu.memory_space<vmem_shared>>
    tpu.enqueue_indirect_dma source(%dma_start3A_461 : memref<119x128xf32, #tpu.memory_space<vmem_shared>>) target(%dma_start3A_456 : memref<224x128xf32, #tpu.memory_space<vmem>>) offsets(%dma_start3A_458 : memref<224xi32, #tpu.memory_space<vmem>>) semaphore(%arg9 : memref<!tpu.dma_semaphore, #tpu.memory_space<semaphore_mem>>)
    %dma_wait3A_462 = arith.constant 2 : i32
    %dma_wait3A_463 = arith.constant 0 : i32
    %dma_wait3A_464 = arith.constant 0 : i32
    %dma_wait3A_465 = tpu.memref_slice %arg7[%dma_wait3A_462, %dma_wait3A_463, %dma_wait3A_464] : memref<4x224x128xf32, #tpu.memory_space<vmem>> -> memref<1x224x128xf32, #tpu.memory_space<vmem>>
    %dma_wait3A_466 = tpu.memref_squeeze %dma_wait3A_465 : memref<1x224x128xf32, #tpu.memory_space<vmem>> -> memref<224x128xf32, #tpu.memory_space<vmem>>
    %dma_wait3A_467 = arith.constant 0 : i32
    %dma_wait3A_468 = arith.constant 0 : i32
    %dma_wait3A_469 = tpu.memref_slice %dma_wait3A_466[%dma_wait3A_467, %dma_wait3A_468] : memref<224x128xf32, #tpu.memory_space<vmem>> -> memref<224x128xf32, #tpu.memory_space<vmem>>
    %dma_wait3A_470 = arith.constant 1344 : i32
    %dma_wait3A_471 = tpu.memref_slice %arg6[%dma_wait3A_470] : memref<3128xi32, #tpu.memory_space<vmem>> -> memref<224xi32, #tpu.memory_space<vmem>>
    %dma_wait3A_472 = arith.constant 0 : i32
    %dma_wait3A_473 = arith.constant 0 : i32
    %dma_wait3A_474 = tpu.memref_slice %arg5[%dma_wait3A_472, %dma_wait3A_473] : memref<119x128xf32, #tpu.memory_space<vmem_shared>> -> memref<119x128xf32, #tpu.memory_space<vmem_shared>>
    tpu.wait_indirect_dma semaphore(%arg10 : memref<!tpu.dma_semaphore, #tpu.memory_space<semaphore_mem>>) src(%dma_wait3A_474 : memref<119x128xf32, #tpu.memory_space<vmem_shared>>) dst(%dma_wait3A_469 : memref<224x128xf32, #tpu.memory_space<vmem>>)
    %add3A_475 = arith.constant 1344 : i32
    %add3A_476 = arith.addi %mul3A_2, %add3A_475 : i32
    %dma_start3A_477 = arith.constant 2 : i32
    %dma_start3A_478 = arith.constant 0 : i32
    %dma_start3A_479 = arith.constant 0 : i32
    %dma_start3A_480 = tpu.memref_slice %arg7[%dma_start3A_477, %dma_start3A_478, %dma_start3A_479] : memref<4x224x128xf32, #tpu.memory_space<vmem>> -> memref<1x224x128xf32, #tpu.memory_space<vmem>>
    %dma_start3A_481 = tpu.memref_squeeze %dma_start3A_480 : memref<1x224x128xf32, #tpu.memory_space<vmem>> -> memref<224x128xf32, #tpu.memory_space<vmem>>
    %dma_start3A_482 = arith.constant 0 : i32
    %dma_start3A_483 = arith.constant 0 : i32
    %dma_start3A_484 = tpu.memref_slice %dma_start3A_481[%dma_start3A_482, %dma_start3A_483] : memref<224x128xf32, #tpu.memory_space<vmem>> -> memref<224x128xf32, #tpu.memory_space<vmem>>
    %dma_start3A_485 = arith.constant 0 : i32
    %dma_start3A_486 = tpu.memref_slice %arg4[%add3A_476, %dma_start3A_485] : memref<100000x128xf32, #tpu.memory_space<hbm>> -> memref<224x128xf32, #tpu.memory_space<hbm>>
    %dma_start3A_487 = arith.constant 0 : i32
    %dma_start3A_488 = tpu.memref_slice %arg4[%add3A_476, %dma_start3A_487] : memref<100000x128xf32, #tpu.memory_space<hbm>> -> memref<224x128xf32, #tpu.memory_space<hbm>>
    %dma_start3A_489 = arith.constant 0 : i32
    %dma_start3A_490 = arith.constant 0 : i32
    %dma_start3A_491 = tpu.memref_slice %arg7[%dma_start3A_477, %dma_start3A_489, %dma_start3A_490] : memref<4x224x128xf32, #tpu.memory_space<vmem>> -> memref<1x224x128xf32, #tpu.memory_space<vmem>>
    %dma_start3A_492 = tpu.memref_squeeze %dma_start3A_491 : memref<1x224x128xf32, #tpu.memory_space<vmem>> -> memref<224x128xf32, #tpu.memory_space<vmem>>
    %dma_start3A_493 = arith.constant 0 : i32
    %dma_start3A_494 = arith.constant 0 : i32
    %dma_start3A_495 = tpu.memref_slice %dma_start3A_492[%dma_start3A_493, %dma_start3A_494] : memref<224x128xf32, #tpu.memory_space<vmem>> -> memref<224x128xf32, #tpu.memory_space<vmem>>
    tpu.enqueue_dma source(%dma_start3A_495 : memref<224x128xf32, #tpu.memory_space<vmem>>) target(%dma_start3A_488 : memref<224x128xf32, #tpu.memory_space<hbm>>) target_semaphore(%arg14 : memref<!tpu.dma_semaphore, #tpu.memory_space<semaphore_mem>>)
    %dma_wait3A_496 = arith.constant 2 : i32
    %dma_wait3A_497 = arith.constant 0 : i32
    %dma_wait3A_498 = arith.constant 0 : i32
    %dma_wait3A_499 = tpu.memref_slice %arg7[%dma_wait3A_496, %dma_wait3A_497, %dma_wait3A_498] : memref<4x224x128xf32, #tpu.memory_space<vmem>> -> memref<1x224x128xf32, #tpu.memory_space<vmem>>
    %dma_wait3A_500 = tpu.memref_squeeze %dma_wait3A_499 : memref<1x224x128xf32, #tpu.memory_space<vmem>> -> memref<224x128xf32, #tpu.memory_space<vmem>>
    %dma_wait3A_501 = arith.constant 0 : i32
    %dma_wait3A_502 = arith.constant 0 : i32
    %dma_wait3A_503 = tpu.memref_slice %dma_wait3A_500[%dma_wait3A_501, %dma_wait3A_502] : memref<224x128xf32, #tpu.memory_space<vmem>> -> memref<224x128xf32, #tpu.memory_space<vmem>>
    %dma_wait3A_504 = arith.constant 0 : i32
    %dma_wait3A_505 = tpu.memref_slice %arg4[%add3A_476, %dma_wait3A_504] : memref<100000x128xf32, #tpu.memory_space<hbm>> -> memref<224x128xf32, #tpu.memory_space<hbm>>
    %dma_wait3A_506 = arith.constant 0 : i32
    %dma_wait3A_507 = tpu.memref_slice %arg4[%add3A_476, %dma_wait3A_506] : memref<100000x128xf32, #tpu.memory_space<hbm>> -> memref<224x128xf32, #tpu.memory_space<hbm>>
    %dma_wait3A_508 = arith.constant 0 : i32
    %dma_wait3A_509 = arith.constant 0 : i32
    %dma_wait3A_510 = tpu.memref_slice %arg7[%dma_wait3A_496, %dma_wait3A_508, %dma_wait3A_509] : memref<4x224x128xf32, #tpu.memory_space<vmem>> -> memref<1x224x128xf32, #tpu.memory_space<vmem>>
    %dma_wait3A_511 = tpu.memref_squeeze %dma_wait3A_510 : memref<1x224x128xf32, #tpu.memory_space<vmem>> -> memref<224x128xf32, #tpu.memory_space<vmem>>
    %dma_wait3A_512 = arith.constant 0 : i32
    %dma_wait3A_513 = arith.constant 0 : i32
    %dma_wait3A_514 = tpu.memref_slice %dma_wait3A_511[%dma_wait3A_512, %dma_wait3A_513] : memref<224x128xf32, #tpu.memory_space<vmem>> -> memref<224x128xf32, #tpu.memory_space<vmem>>
    tpu.wait_dma2 semaphore(%arg14 : memref<!tpu.dma_semaphore, #tpu.memory_space<semaphore_mem>>) src(%dma_wait3A_514 : memref<224x128xf32, #tpu.memory_space<vmem>>) dst(%dma_wait3A_507 : memref<224x128xf32, #tpu.memory_space<hbm>>)
    %dma_start3A_515 = arith.constant 2 : i32
    %dma_start3A_516 = arith.constant 0 : i32
    %dma_start3A_517 = arith.constant 0 : i32
    %dma_start3A_518 = tpu.memref_slice %arg7[%dma_start3A_515, %dma_start3A_516, %dma_start3A_517] : memref<4x224x128xf32, #tpu.memory_space<vmem>> -> memref<1x224x128xf32, #tpu.memory_space<vmem>>
    %dma_start3A_519 = tpu.memref_squeeze %dma_start3A_518 : memref<1x224x128xf32, #tpu.memory_space<vmem>> -> memref<224x128xf32, #tpu.memory_space<vmem>>
    %dma_start3A_520 = arith.constant 0 : i32
    %dma_start3A_521 = arith.constant 0 : i32
    %dma_start3A_522 = tpu.memref_slice %dma_start3A_519[%dma_start3A_520, %dma_start3A_521] : memref<224x128xf32, #tpu.memory_space<vmem>> -> memref<224x128xf32, #tpu.memory_space<vmem>>
    %dma_start3A_523 = arith.constant 2240 : i32
    %dma_start3A_524 = tpu.memref_slice %arg6[%dma_start3A_523] : memref<3128xi32, #tpu.memory_space<vmem>> -> memref<224xi32, #tpu.memory_space<vmem>>
    %dma_start3A_525 = arith.constant 0 : i32
    %dma_start3A_526 = arith.constant 0 : i32
    %dma_start3A_527 = tpu.memref_slice %arg5[%dma_start3A_525, %dma_start3A_526] : memref<119x128xf32, #tpu.memory_space<vmem_shared>> -> memref<119x128xf32, #tpu.memory_space<vmem_shared>>
    tpu.enqueue_indirect_dma source(%dma_start3A_527 : memref<119x128xf32, #tpu.memory_space<vmem_shared>>) target(%dma_start3A_522 : memref<224x128xf32, #tpu.memory_space<vmem>>) offsets(%dma_start3A_524 : memref<224xi32, #tpu.memory_space<vmem>>) semaphore(%arg10 : memref<!tpu.dma_semaphore, #tpu.memory_space<semaphore_mem>>)
    %dma_wait3A_528 = arith.constant 3 : i32
    %dma_wait3A_529 = arith.constant 0 : i32
    %dma_wait3A_530 = arith.constant 0 : i32
    %dma_wait3A_531 = tpu.memref_slice %arg7[%dma_wait3A_528, %dma_wait3A_529, %dma_wait3A_530] : memref<4x224x128xf32, #tpu.memory_space<vmem>> -> memref<1x224x128xf32, #tpu.memory_space<vmem>>
    %dma_wait3A_532 = tpu.memref_squeeze %dma_wait3A_531 : memref<1x224x128xf32, #tpu.memory_space<vmem>> -> memref<224x128xf32, #tpu.memory_space<vmem>>
    %dma_wait3A_533 = arith.constant 0 : i32
    %dma_wait3A_534 = arith.constant 0 : i32
    %dma_wait3A_535 = tpu.memref_slice %dma_wait3A_532[%dma_wait3A_533, %dma_wait3A_534] : memref<224x128xf32, #tpu.memory_space<vmem>> -> memref<224x128xf32, #tpu.memory_space<vmem>>
    %dma_wait3A_536 = arith.constant 1568 : i32
    %dma_wait3A_537 = tpu.memref_slice %arg6[%dma_wait3A_536] : memref<3128xi32, #tpu.memory_space<vmem>> -> memref<224xi32, #tpu.memory_space<vmem>>
    %dma_wait3A_538 = arith.constant 0 : i32
    %dma_wait3A_539 = arith.constant 0 : i32
    %dma_wait3A_540 = tpu.memref_slice %arg5[%dma_wait3A_538, %dma_wait3A_539] : memref<119x128xf32, #tpu.memory_space<vmem_shared>> -> memref<119x128xf32, #tpu.memory_space<vmem_shared>>
    tpu.wait_indirect_dma semaphore(%arg11 : memref<!tpu.dma_semaphore, #tpu.memory_space<semaphore_mem>>) src(%dma_wait3A_540 : memref<119x128xf32, #tpu.memory_space<vmem_shared>>) dst(%dma_wait3A_535 : memref<224x128xf32, #tpu.memory_space<vmem>>)
    %add3A_541 = arith.constant 1568 : i32
    %add3A_542 = arith.addi %mul3A_2, %add3A_541 : i32
    %dma_start3A_543 = arith.constant 3 : i32
    %dma_start3A_544 = arith.constant 0 : i32
    %dma_start3A_545 = arith.constant 0 : i32
    %dma_start3A_546 = tpu.memref_slice %arg7[%dma_start3A_543, %dma_start3A_544, %dma_start3A_545] : memref<4x224x128xf32, #tpu.memory_space<vmem>> -> memref<1x224x128xf32, #tpu.memory_space<vmem>>
    %dma_start3A_547 = tpu.memref_squeeze %dma_start3A_546 : memref<1x224x128xf32, #tpu.memory_space<vmem>> -> memref<224x128xf32, #tpu.memory_space<vmem>>
    %dma_start3A_548 = arith.constant 0 : i32
    %dma_start3A_549 = arith.constant 0 : i32
    %dma_start3A_550 = tpu.memref_slice %dma_start3A_547[%dma_start3A_548, %dma_start3A_549] : memref<224x128xf32, #tpu.memory_space<vmem>> -> memref<224x128xf32, #tpu.memory_space<vmem>>
    %dma_start3A_551 = arith.constant 0 : i32
    %dma_start3A_552 = tpu.memref_slice %arg4[%add3A_542, %dma_start3A_551] : memref<100000x128xf32, #tpu.memory_space<hbm>> -> memref<224x128xf32, #tpu.memory_space<hbm>>
    %dma_start3A_553 = arith.constant 0 : i32
    %dma_start3A_554 = tpu.memref_slice %arg4[%add3A_542, %dma_start3A_553] : memref<100000x128xf32, #tpu.memory_space<hbm>> -> memref<224x128xf32, #tpu.memory_space<hbm>>
    %dma_start3A_555 = arith.constant 0 : i32
    %dma_start3A_556 = arith.constant 0 : i32
    %dma_start3A_557 = tpu.memref_slice %arg7[%dma_start3A_543, %dma_start3A_555, %dma_start3A_556] : memref<4x224x128xf32, #tpu.memory_space<vmem>> -> memref<1x224x128xf32, #tpu.memory_space<vmem>>
    %dma_start3A_558 = tpu.memref_squeeze %dma_start3A_557 : memref<1x224x128xf32, #tpu.memory_space<vmem>> -> memref<224x128xf32, #tpu.memory_space<vmem>>
    %dma_start3A_559 = arith.constant 0 : i32
    %dma_start3A_560 = arith.constant 0 : i32
    %dma_start3A_561 = tpu.memref_slice %dma_start3A_558[%dma_start3A_559, %dma_start3A_560] : memref<224x128xf32, #tpu.memory_space<vmem>> -> memref<224x128xf32, #tpu.memory_space<vmem>>
    tpu.enqueue_dma source(%dma_start3A_561 : memref<224x128xf32, #tpu.memory_space<vmem>>) target(%dma_start3A_554 : memref<224x128xf32, #tpu.memory_space<hbm>>) target_semaphore(%arg15 : memref<!tpu.dma_semaphore, #tpu.memory_space<semaphore_mem>>)
    %dma_wait3A_562 = arith.constant 3 : i32
    %dma_wait3A_563 = arith.constant 0 : i32
    %dma_wait3A_564 = arith.constant 0 : i32
    %dma_wait3A_565 = tpu.memref_slice %arg7[%dma_wait3A_562, %dma_wait3A_563, %dma_wait3A_564] : memref<4x224x128xf32, #tpu.memory_space<vmem>> -> memref<1x224x128xf32, #tpu.memory_space<vmem>>
    %dma_wait3A_566 = tpu.memref_squeeze %dma_wait3A_565 : memref<1x224x128xf32, #tpu.memory_space<vmem>> -> memref<224x128xf32, #tpu.memory_space<vmem>>
    %dma_wait3A_567 = arith.constant 0 : i32
    %dma_wait3A_568 = arith.constant 0 : i32
    %dma_wait3A_569 = tpu.memref_slice %dma_wait3A_566[%dma_wait3A_567, %dma_wait3A_568] : memref<224x128xf32, #tpu.memory_space<vmem>> -> memref<224x128xf32, #tpu.memory_space<vmem>>
    %dma_wait3A_570 = arith.constant 0 : i32
    %dma_wait3A_571 = tpu.memref_slice %arg4[%add3A_542, %dma_wait3A_570] : memref<100000x128xf32, #tpu.memory_space<hbm>> -> memref<224x128xf32, #tpu.memory_space<hbm>>
    %dma_wait3A_572 = arith.constant 0 : i32
    %dma_wait3A_573 = tpu.memref_slice %arg4[%add3A_542, %dma_wait3A_572] : memref<100000x128xf32, #tpu.memory_space<hbm>> -> memref<224x128xf32, #tpu.memory_space<hbm>>
    %dma_wait3A_574 = arith.constant 0 : i32
    %dma_wait3A_575 = arith.constant 0 : i32
    %dma_wait3A_576 = tpu.memref_slice %arg7[%dma_wait3A_562, %dma_wait3A_574, %dma_wait3A_575] : memref<4x224x128xf32, #tpu.memory_space<vmem>> -> memref<1x224x128xf32, #tpu.memory_space<vmem>>
    %dma_wait3A_577 = tpu.memref_squeeze %dma_wait3A_576 : memref<1x224x128xf32, #tpu.memory_space<vmem>> -> memref<224x128xf32, #tpu.memory_space<vmem>>
    %dma_wait3A_578 = arith.constant 0 : i32
    %dma_wait3A_579 = arith.constant 0 : i32
    %dma_wait3A_580 = tpu.memref_slice %dma_wait3A_577[%dma_wait3A_578, %dma_wait3A_579] : memref<224x128xf32, #tpu.memory_space<vmem>> -> memref<224x128xf32, #tpu.memory_space<vmem>>
    tpu.wait_dma2 semaphore(%arg15 : memref<!tpu.dma_semaphore, #tpu.memory_space<semaphore_mem>>) src(%dma_wait3A_580 : memref<224x128xf32, #tpu.memory_space<vmem>>) dst(%dma_wait3A_573 : memref<224x128xf32, #tpu.memory_space<hbm>>)
    %dma_start3A_581 = arith.constant 3 : i32
    %dma_start3A_582 = arith.constant 0 : i32
    %dma_start3A_583 = arith.constant 0 : i32
    %dma_start3A_584 = tpu.memref_slice %arg7[%dma_start3A_581, %dma_start3A_582, %dma_start3A_583] : memref<4x224x128xf32, #tpu.memory_space<vmem>> -> memref<1x224x128xf32, #tpu.memory_space<vmem>>
    %dma_start3A_585 = tpu.memref_squeeze %dma_start3A_584 : memref<1x224x128xf32, #tpu.memory_space<vmem>> -> memref<224x128xf32, #tpu.memory_space<vmem>>
    %dma_start3A_586 = arith.constant 0 : i32
    %dma_start3A_587 = arith.constant 0 : i32
    %dma_start3A_588 = tpu.memref_slice %dma_start3A_585[%dma_start3A_586, %dma_start3A_587] : memref<224x128xf32, #tpu.memory_space<vmem>> -> memref<224x128xf32, #tpu.memory_space<vmem>>
    %dma_start3A_589 = arith.constant 2464 : i32
    %dma_start3A_590 = tpu.memref_slice %arg6[%dma_start3A_589] : memref<3128xi32, #tpu.memory_space<vmem>> -> memref<224xi32, #tpu.memory_space<vmem>>
    %dma_start3A_591 = arith.constant 0 : i32
    %dma_start3A_592 = arith.constant 0 : i32
    %dma_start3A_593 = tpu.memref_slice %arg5[%dma_start3A_591, %dma_start3A_592] : memref<119x128xf32, #tpu.memory_space<vmem_shared>> -> memref<119x128xf32, #tpu.memory_space<vmem_shared>>
    tpu.enqueue_indirect_dma source(%dma_start3A_593 : memref<119x128xf32, #tpu.memory_space<vmem_shared>>) target(%dma_start3A_588 : memref<224x128xf32, #tpu.memory_space<vmem>>) offsets(%dma_start3A_590 : memref<224xi32, #tpu.memory_space<vmem>>) semaphore(%arg11 : memref<!tpu.dma_semaphore, #tpu.memory_space<semaphore_mem>>)
    %dma_wait3A_594 = arith.constant 0 : i32
    %dma_wait3A_595 = arith.constant 0 : i32
    %dma_wait3A_596 = arith.constant 0 : i32
    %dma_wait3A_597 = tpu.memref_slice %arg7[%dma_wait3A_594, %dma_wait3A_595, %dma_wait3A_596] : memref<4x224x128xf32, #tpu.memory_space<vmem>> -> memref<1x224x128xf32, #tpu.memory_space<vmem>>
    %dma_wait3A_598 = tpu.memref_squeeze %dma_wait3A_597 : memref<1x224x128xf32, #tpu.memory_space<vmem>> -> memref<224x128xf32, #tpu.memory_space<vmem>>
    %dma_wait3A_599 = arith.constant 0 : i32
    %dma_wait3A_600 = arith.constant 0 : i32
    %dma_wait3A_601 = tpu.memref_slice %dma_wait3A_598[%dma_wait3A_599, %dma_wait3A_600] : memref<224x128xf32, #tpu.memory_space<vmem>> -> memref<224x128xf32, #tpu.memory_space<vmem>>
    %dma_wait3A_602 = arith.constant 1792 : i32
    %dma_wait3A_603 = tpu.memref_slice %arg6[%dma_wait3A_602] : memref<3128xi32, #tpu.memory_space<vmem>> -> memref<224xi32, #tpu.memory_space<vmem>>
    %dma_wait3A_604 = arith.constant 0 : i32
    %dma_wait3A_605 = arith.constant 0 : i32
    %dma_wait3A_606 = tpu.memref_slice %arg5[%dma_wait3A_604, %dma_wait3A_605] : memref<119x128xf32, #tpu.memory_space<vmem_shared>> -> memref<119x128xf32, #tpu.memory_space<vmem_shared>>
    tpu.wait_indirect_dma semaphore(%arg8 : memref<!tpu.dma_semaphore, #tpu.memory_space<semaphore_mem>>) src(%dma_wait3A_606 : memref<119x128xf32, #tpu.memory_space<vmem_shared>>) dst(%dma_wait3A_601 : memref<224x128xf32, #tpu.memory_space<vmem>>)
    %add3A_607 = arith.constant 1792 : i32
    %add3A_608 = arith.addi %mul3A_2, %add3A_607 : i32
    %dma_start3A_609 = arith.constant 0 : i32
    %dma_start3A_610 = arith.constant 0 : i32
    %dma_start3A_611 = arith.constant 0 : i32
    %dma_start3A_612 = tpu.memref_slice %arg7[%dma_start3A_609, %dma_start3A_610, %dma_start3A_611] : memref<4x224x128xf32, #tpu.memory_space<vmem>> -> memref<1x224x128xf32, #tpu.memory_space<vmem>>
    %dma_start3A_613 = tpu.memref_squeeze %dma_start3A_612 : memref<1x224x128xf32, #tpu.memory_space<vmem>> -> memref<224x128xf32, #tpu.memory_space<vmem>>
    %dma_start3A_614 = arith.constant 0 : i32
    %dma_start3A_615 = arith.constant 0 : i32
    %dma_start3A_616 = tpu.memref_slice %dma_start3A_613[%dma_start3A_614, %dma_start3A_615] : memref<224x128xf32, #tpu.memory_space<vmem>> -> memref<224x128xf32, #tpu.memory_space<vmem>>
    %dma_start3A_617 = arith.constant 0 : i32
    %dma_start3A_618 = tpu.memref_slice %arg4[%add3A_608, %dma_start3A_617] : memref<100000x128xf32, #tpu.memory_space<hbm>> -> memref<224x128xf32, #tpu.memory_space<hbm>>
    %dma_start3A_619 = arith.constant 0 : i32
    %dma_start3A_620 = tpu.memref_slice %arg4[%add3A_608, %dma_start3A_619] : memref<100000x128xf32, #tpu.memory_space<hbm>> -> memref<224x128xf32, #tpu.memory_space<hbm>>
    %dma_start3A_621 = arith.constant 0 : i32
    %dma_start3A_622 = arith.constant 0 : i32
    %dma_start3A_623 = tpu.memref_slice %arg7[%dma_start3A_609, %dma_start3A_621, %dma_start3A_622] : memref<4x224x128xf32, #tpu.memory_space<vmem>> -> memref<1x224x128xf32, #tpu.memory_space<vmem>>
    %dma_start3A_624 = tpu.memref_squeeze %dma_start3A_623 : memref<1x224x128xf32, #tpu.memory_space<vmem>> -> memref<224x128xf32, #tpu.memory_space<vmem>>
    %dma_start3A_625 = arith.constant 0 : i32
    %dma_start3A_626 = arith.constant 0 : i32
    %dma_start3A_627 = tpu.memref_slice %dma_start3A_624[%dma_start3A_625, %dma_start3A_626] : memref<224x128xf32, #tpu.memory_space<vmem>> -> memref<224x128xf32, #tpu.memory_space<vmem>>
    tpu.enqueue_dma source(%dma_start3A_627 : memref<224x128xf32, #tpu.memory_space<vmem>>) target(%dma_start3A_620 : memref<224x128xf32, #tpu.memory_space<hbm>>) target_semaphore(%arg12 : memref<!tpu.dma_semaphore, #tpu.memory_space<semaphore_mem>>)
    %dma_wait3A_628 = arith.constant 0 : i32
    %dma_wait3A_629 = arith.constant 0 : i32
    %dma_wait3A_630 = arith.constant 0 : i32
    %dma_wait3A_631 = tpu.memref_slice %arg7[%dma_wait3A_628, %dma_wait3A_629, %dma_wait3A_630] : memref<4x224x128xf32, #tpu.memory_space<vmem>> -> memref<1x224x128xf32, #tpu.memory_space<vmem>>
    %dma_wait3A_632 = tpu.memref_squeeze %dma_wait3A_631 : memref<1x224x128xf32, #tpu.memory_space<vmem>> -> memref<224x128xf32, #tpu.memory_space<vmem>>
    %dma_wait3A_633 = arith.constant 0 : i32
    %dma_wait3A_634 = arith.constant 0 : i32
    %dma_wait3A_635 = tpu.memref_slice %dma_wait3A_632[%dma_wait3A_633, %dma_wait3A_634] : memref<224x128xf32, #tpu.memory_space<vmem>> -> memref<224x128xf32, #tpu.memory_space<vmem>>
    %dma_wait3A_636 = arith.constant 0 : i32
    %dma_wait3A_637 = tpu.memref_slice %arg4[%add3A_608, %dma_wait3A_636] : memref<100000x128xf32, #tpu.memory_space<hbm>> -> memref<224x128xf32, #tpu.memory_space<hbm>>
    %dma_wait3A_638 = arith.constant 0 : i32
    %dma_wait3A_639 = tpu.memref_slice %arg4[%add3A_608, %dma_wait3A_638] : memref<100000x128xf32, #tpu.memory_space<hbm>> -> memref<224x128xf32, #tpu.memory_space<hbm>>
    %dma_wait3A_640 = arith.constant 0 : i32
    %dma_wait3A_641 = arith.constant 0 : i32
    %dma_wait3A_642 = tpu.memref_slice %arg7[%dma_wait3A_628, %dma_wait3A_640, %dma_wait3A_641] : memref<4x224x128xf32, #tpu.memory_space<vmem>> -> memref<1x224x128xf32, #tpu.memory_space<vmem>>
    %dma_wait3A_643 = tpu.memref_squeeze %dma_wait3A_642 : memref<1x224x128xf32, #tpu.memory_space<vmem>> -> memref<224x128xf32, #tpu.memory_space<vmem>>
    %dma_wait3A_644 = arith.constant 0 : i32
    %dma_wait3A_645 = arith.constant 0 : i32
    %dma_wait3A_646 = tpu.memref_slice %dma_wait3A_643[%dma_wait3A_644, %dma_wait3A_645] : memref<224x128xf32, #tpu.memory_space<vmem>> -> memref<224x128xf32, #tpu.memory_space<vmem>>
    tpu.wait_dma2 semaphore(%arg12 : memref<!tpu.dma_semaphore, #tpu.memory_space<semaphore_mem>>) src(%dma_wait3A_646 : memref<224x128xf32, #tpu.memory_space<vmem>>) dst(%dma_wait3A_639 : memref<224x128xf32, #tpu.memory_space<hbm>>)
    %dma_start3A_647 = arith.constant 0 : i32
    %dma_start3A_648 = arith.constant 0 : i32
    %dma_start3A_649 = arith.constant 0 : i32
    %dma_start3A_650 = tpu.memref_slice %arg7[%dma_start3A_647, %dma_start3A_648, %dma_start3A_649] : memref<4x224x128xf32, #tpu.memory_space<vmem>> -> memref<1x224x128xf32, #tpu.memory_space<vmem>>
    %dma_start3A_651 = tpu.memref_squeeze %dma_start3A_650 : memref<1x224x128xf32, #tpu.memory_space<vmem>> -> memref<224x128xf32, #tpu.memory_space<vmem>>
    %dma_start3A_652 = arith.constant 0 : i32
    %dma_start3A_653 = arith.constant 0 : i32
    %dma_start3A_654 = tpu.memref_slice %dma_start3A_651[%dma_start3A_652, %dma_start3A_653] : memref<224x128xf32, #tpu.memory_space<vmem>> -> memref<224x128xf32, #tpu.memory_space<vmem>>
    %dma_start3A_655 = arith.constant 2688 : i32
    %dma_start3A_656 = tpu.memref_slice %arg6[%dma_start3A_655] : memref<3128xi32, #tpu.memory_space<vmem>> -> memref<224xi32, #tpu.memory_space<vmem>>
    %dma_start3A_657 = arith.constant 0 : i32
    %dma_start3A_658 = arith.constant 0 : i32
    %dma_start3A_659 = tpu.memref_slice %arg5[%dma_start3A_657, %dma_start3A_658] : memref<119x128xf32, #tpu.memory_space<vmem_shared>> -> memref<119x128xf32, #tpu.memory_space<vmem_shared>>
    tpu.enqueue_indirect_dma source(%dma_start3A_659 : memref<119x128xf32, #tpu.memory_space<vmem_shared>>) target(%dma_start3A_654 : memref<224x128xf32, #tpu.memory_space<vmem>>) offsets(%dma_start3A_656 : memref<224xi32, #tpu.memory_space<vmem>>) semaphore(%arg8 : memref<!tpu.dma_semaphore, #tpu.memory_space<semaphore_mem>>)
    %dma_wait3A_660 = arith.constant 1 : i32
    %dma_wait3A_661 = arith.constant 0 : i32
    %dma_wait3A_662 = arith.constant 0 : i32
    %dma_wait3A_663 = tpu.memref_slice %arg7[%dma_wait3A_660, %dma_wait3A_661, %dma_wait3A_662] : memref<4x224x128xf32, #tpu.memory_space<vmem>> -> memref<1x224x128xf32, #tpu.memory_space<vmem>>
    %dma_wait3A_664 = tpu.memref_squeeze %dma_wait3A_663 : memref<1x224x128xf32, #tpu.memory_space<vmem>> -> memref<224x128xf32, #tpu.memory_space<vmem>>
    %dma_wait3A_665 = arith.constant 0 : i32
    %dma_wait3A_666 = arith.constant 0 : i32
    %dma_wait3A_667 = tpu.memref_slice %dma_wait3A_664[%dma_wait3A_665, %dma_wait3A_666] : memref<224x128xf32, #tpu.memory_space<vmem>> -> memref<224x128xf32, #tpu.memory_space<vmem>>
    %dma_wait3A_668 = arith.constant 2016 : i32
    %dma_wait3A_669 = tpu.memref_slice %arg6[%dma_wait3A_668] : memref<3128xi32, #tpu.memory_space<vmem>> -> memref<224xi32, #tpu.memory_space<vmem>>
    %dma_wait3A_670 = arith.constant 0 : i32
    %dma_wait3A_671 = arith.constant 0 : i32
    %dma_wait3A_672 = tpu.memref_slice %arg5[%dma_wait3A_670, %dma_wait3A_671] : memref<119x128xf32, #tpu.memory_space<vmem_shared>> -> memref<119x128xf32, #tpu.memory_space<vmem_shared>>
    tpu.wait_indirect_dma semaphore(%arg9 : memref<!tpu.dma_semaphore, #tpu.memory_space<semaphore_mem>>) src(%dma_wait3A_672 : memref<119x128xf32, #tpu.memory_space<vmem_shared>>) dst(%dma_wait3A_667 : memref<224x128xf32, #tpu.memory_space<vmem>>)
    %add3A_673 = arith.constant 2016 : i32
    %add3A_674 = arith.addi %mul3A_2, %add3A_673 : i32
    %dma_start3A_675 = arith.constant 1 : i32
    %dma_start3A_676 = arith.constant 0 : i32
    %dma_start3A_677 = arith.constant 0 : i32
    %dma_start3A_678 = tpu.memref_slice %arg7[%dma_start3A_675, %dma_start3A_676, %dma_start3A_677] : memref<4x224x128xf32, #tpu.memory_space<vmem>> -> memref<1x224x128xf32, #tpu.memory_space<vmem>>
    %dma_start3A_679 = tpu.memref_squeeze %dma_start3A_678 : memref<1x224x128xf32, #tpu.memory_space<vmem>> -> memref<224x128xf32, #tpu.memory_space<vmem>>
    %dma_start3A_680 = arith.constant 0 : i32
    %dma_start3A_681 = arith.constant 0 : i32
    %dma_start3A_682 = tpu.memref_slice %dma_start3A_679[%dma_start3A_680, %dma_start3A_681] : memref<224x128xf32, #tpu.memory_space<vmem>> -> memref<224x128xf32, #tpu.memory_space<vmem>>
    %dma_start3A_683 = arith.constant 0 : i32
    %dma_start3A_684 = tpu.memref_slice %arg4[%add3A_674, %dma_start3A_683] : memref<100000x128xf32, #tpu.memory_space<hbm>> -> memref<224x128xf32, #tpu.memory_space<hbm>>
    %dma_start3A_685 = arith.constant 0 : i32
    %dma_start3A_686 = tpu.memref_slice %arg4[%add3A_674, %dma_start3A_685] : memref<100000x128xf32, #tpu.memory_space<hbm>> -> memref<224x128xf32, #tpu.memory_space<hbm>>
    %dma_start3A_687 = arith.constant 0 : i32
    %dma_start3A_688 = arith.constant 0 : i32
    %dma_start3A_689 = tpu.memref_slice %arg7[%dma_start3A_675, %dma_start3A_687, %dma_start3A_688] : memref<4x224x128xf32, #tpu.memory_space<vmem>> -> memref<1x224x128xf32, #tpu.memory_space<vmem>>
    %dma_start3A_690 = tpu.memref_squeeze %dma_start3A_689 : memref<1x224x128xf32, #tpu.memory_space<vmem>> -> memref<224x128xf32, #tpu.memory_space<vmem>>
    %dma_start3A_691 = arith.constant 0 : i32
    %dma_start3A_692 = arith.constant 0 : i32
    %dma_start3A_693 = tpu.memref_slice %dma_start3A_690[%dma_start3A_691, %dma_start3A_692] : memref<224x128xf32, #tpu.memory_space<vmem>> -> memref<224x128xf32, #tpu.memory_space<vmem>>
    tpu.enqueue_dma source(%dma_start3A_693 : memref<224x128xf32, #tpu.memory_space<vmem>>) target(%dma_start3A_686 : memref<224x128xf32, #tpu.memory_space<hbm>>) target_semaphore(%arg13 : memref<!tpu.dma_semaphore, #tpu.memory_space<semaphore_mem>>)
    %dma_wait3A_694 = arith.constant 2 : i32
    %dma_wait3A_695 = arith.constant 0 : i32
    %dma_wait3A_696 = arith.constant 0 : i32
    %dma_wait3A_697 = tpu.memref_slice %arg7[%dma_wait3A_694, %dma_wait3A_695, %dma_wait3A_696] : memref<4x224x128xf32, #tpu.memory_space<vmem>> -> memref<1x224x128xf32, #tpu.memory_space<vmem>>
    %dma_wait3A_698 = tpu.memref_squeeze %dma_wait3A_697 : memref<1x224x128xf32, #tpu.memory_space<vmem>> -> memref<224x128xf32, #tpu.memory_space<vmem>>
    %dma_wait3A_699 = arith.constant 0 : i32
    %dma_wait3A_700 = arith.constant 0 : i32
    %dma_wait3A_701 = tpu.memref_slice %dma_wait3A_698[%dma_wait3A_699, %dma_wait3A_700] : memref<224x128xf32, #tpu.memory_space<vmem>> -> memref<224x128xf32, #tpu.memory_space<vmem>>
    %dma_wait3A_702 = arith.constant 2240 : i32
    %dma_wait3A_703 = tpu.memref_slice %arg6[%dma_wait3A_702] : memref<3128xi32, #tpu.memory_space<vmem>> -> memref<224xi32, #tpu.memory_space<vmem>>
    %dma_wait3A_704 = arith.constant 0 : i32
    %dma_wait3A_705 = arith.constant 0 : i32
    %dma_wait3A_706 = tpu.memref_slice %arg5[%dma_wait3A_704, %dma_wait3A_705] : memref<119x128xf32, #tpu.memory_space<vmem_shared>> -> memref<119x128xf32, #tpu.memory_space<vmem_shared>>
    tpu.wait_indirect_dma semaphore(%arg10 : memref<!tpu.dma_semaphore, #tpu.memory_space<semaphore_mem>>) src(%dma_wait3A_706 : memref<119x128xf32, #tpu.memory_space<vmem_shared>>) dst(%dma_wait3A_701 : memref<224x128xf32, #tpu.memory_space<vmem>>)
    %add3A_707 = arith.constant 2240 : i32
    %add3A_708 = arith.addi %mul3A_2, %add3A_707 : i32
    %dma_start3A_709 = arith.constant 2 : i32
    %dma_start3A_710 = arith.constant 0 : i32
    %dma_start3A_711 = arith.constant 0 : i32
    %dma_start3A_712 = tpu.memref_slice %arg7[%dma_start3A_709, %dma_start3A_710, %dma_start3A_711] : memref<4x224x128xf32, #tpu.memory_space<vmem>> -> memref<1x224x128xf32, #tpu.memory_space<vmem>>
    %dma_start3A_713 = tpu.memref_squeeze %dma_start3A_712 : memref<1x224x128xf32, #tpu.memory_space<vmem>> -> memref<224x128xf32, #tpu.memory_space<vmem>>
    %dma_start3A_714 = arith.constant 0 : i32
    %dma_start3A_715 = arith.constant 0 : i32
    %dma_start3A_716 = tpu.memref_slice %dma_start3A_713[%dma_start3A_714, %dma_start3A_715] : memref<224x128xf32, #tpu.memory_space<vmem>> -> memref<224x128xf32, #tpu.memory_space<vmem>>
    %dma_start3A_717 = arith.constant 0 : i32
    %dma_start3A_718 = tpu.memref_slice %arg4[%add3A_708, %dma_start3A_717] : memref<100000x128xf32, #tpu.memory_space<hbm>> -> memref<224x128xf32, #tpu.memory_space<hbm>>
    %dma_start3A_719 = arith.constant 0 : i32
    %dma_start3A_720 = tpu.memref_slice %arg4[%add3A_708, %dma_start3A_719] : memref<100000x128xf32, #tpu.memory_space<hbm>> -> memref<224x128xf32, #tpu.memory_space<hbm>>
    %dma_start3A_721 = arith.constant 0 : i32
    %dma_start3A_722 = arith.constant 0 : i32
    %dma_start3A_723 = tpu.memref_slice %arg7[%dma_start3A_709, %dma_start3A_721, %dma_start3A_722] : memref<4x224x128xf32, #tpu.memory_space<vmem>> -> memref<1x224x128xf32, #tpu.memory_space<vmem>>
    %dma_start3A_724 = tpu.memref_squeeze %dma_start3A_723 : memref<1x224x128xf32, #tpu.memory_space<vmem>> -> memref<224x128xf32, #tpu.memory_space<vmem>>
    %dma_start3A_725 = arith.constant 0 : i32
    %dma_start3A_726 = arith.constant 0 : i32
    %dma_start3A_727 = tpu.memref_slice %dma_start3A_724[%dma_start3A_725, %dma_start3A_726] : memref<224x128xf32, #tpu.memory_space<vmem>> -> memref<224x128xf32, #tpu.memory_space<vmem>>
    tpu.enqueue_dma source(%dma_start3A_727 : memref<224x128xf32, #tpu.memory_space<vmem>>) target(%dma_start3A_720 : memref<224x128xf32, #tpu.memory_space<hbm>>) target_semaphore(%arg14 : memref<!tpu.dma_semaphore, #tpu.memory_space<semaphore_mem>>)
    %dma_wait3A_728 = arith.constant 3 : i32
    %dma_wait3A_729 = arith.constant 0 : i32
    %dma_wait3A_730 = arith.constant 0 : i32
    %dma_wait3A_731 = tpu.memref_slice %arg7[%dma_wait3A_728, %dma_wait3A_729, %dma_wait3A_730] : memref<4x224x128xf32, #tpu.memory_space<vmem>> -> memref<1x224x128xf32, #tpu.memory_space<vmem>>
    %dma_wait3A_732 = tpu.memref_squeeze %dma_wait3A_731 : memref<1x224x128xf32, #tpu.memory_space<vmem>> -> memref<224x128xf32, #tpu.memory_space<vmem>>
    %dma_wait3A_733 = arith.constant 0 : i32
    %dma_wait3A_734 = arith.constant 0 : i32
    %dma_wait3A_735 = tpu.memref_slice %dma_wait3A_732[%dma_wait3A_733, %dma_wait3A_734] : memref<224x128xf32, #tpu.memory_space<vmem>> -> memref<224x128xf32, #tpu.memory_space<vmem>>
    %dma_wait3A_736 = arith.constant 2464 : i32
    %dma_wait3A_737 = tpu.memref_slice %arg6[%dma_wait3A_736] : memref<3128xi32, #tpu.memory_space<vmem>> -> memref<224xi32, #tpu.memory_space<vmem>>
    %dma_wait3A_738 = arith.constant 0 : i32
    %dma_wait3A_739 = arith.constant 0 : i32
    %dma_wait3A_740 = tpu.memref_slice %arg5[%dma_wait3A_738, %dma_wait3A_739] : memref<119x128xf32, #tpu.memory_space<vmem_shared>> -> memref<119x128xf32, #tpu.memory_space<vmem_shared>>
    tpu.wait_indirect_dma semaphore(%arg11 : memref<!tpu.dma_semaphore, #tpu.memory_space<semaphore_mem>>) src(%dma_wait3A_740 : memref<119x128xf32, #tpu.memory_space<vmem_shared>>) dst(%dma_wait3A_735 : memref<224x128xf32, #tpu.memory_space<vmem>>)
    %add3A_741 = arith.constant 2464 : i32
    %add3A_742 = arith.addi %mul3A_2, %add3A_741 : i32
    %dma_start3A_743 = arith.constant 3 : i32
    %dma_start3A_744 = arith.constant 0 : i32
    %dma_start3A_745 = arith.constant 0 : i32
    %dma_start3A_746 = tpu.memref_slice %arg7[%dma_start3A_743, %dma_start3A_744, %dma_start3A_745] : memref<4x224x128xf32, #tpu.memory_space<vmem>> -> memref<1x224x128xf32, #tpu.memory_space<vmem>>
    %dma_start3A_747 = tpu.memref_squeeze %dma_start3A_746 : memref<1x224x128xf32, #tpu.memory_space<vmem>> -> memref<224x128xf32, #tpu.memory_space<vmem>>
    %dma_start3A_748 = arith.constant 0 : i32
    %dma_start3A_749 = arith.constant 0 : i32
    %dma_start3A_750 = tpu.memref_slice %dma_start3A_747[%dma_start3A_748, %dma_start3A_749] : memref<224x128xf32, #tpu.memory_space<vmem>> -> memref<224x128xf32, #tpu.memory_space<vmem>>
    %dma_start3A_751 = arith.constant 0 : i32
    %dma_start3A_752 = tpu.memref_slice %arg4[%add3A_742, %dma_start3A_751] : memref<100000x128xf32, #tpu.memory_space<hbm>> -> memref<224x128xf32, #tpu.memory_space<hbm>>
    %dma_start3A_753 = arith.constant 0 : i32
    %dma_start3A_754 = tpu.memref_slice %arg4[%add3A_742, %dma_start3A_753] : memref<100000x128xf32, #tpu.memory_space<hbm>> -> memref<224x128xf32, #tpu.memory_space<hbm>>
    %dma_start3A_755 = arith.constant 0 : i32
    %dma_start3A_756 = arith.constant 0 : i32
    %dma_start3A_757 = tpu.memref_slice %arg7[%dma_start3A_743, %dma_start3A_755, %dma_start3A_756] : memref<4x224x128xf32, #tpu.memory_space<vmem>> -> memref<1x224x128xf32, #tpu.memory_space<vmem>>
    %dma_start3A_758 = tpu.memref_squeeze %dma_start3A_757 : memref<1x224x128xf32, #tpu.memory_space<vmem>> -> memref<224x128xf32, #tpu.memory_space<vmem>>
    %dma_start3A_759 = arith.constant 0 : i32
    %dma_start3A_760 = arith.constant 0 : i32
    %dma_start3A_761 = tpu.memref_slice %dma_start3A_758[%dma_start3A_759, %dma_start3A_760] : memref<224x128xf32, #tpu.memory_space<vmem>> -> memref<224x128xf32, #tpu.memory_space<vmem>>
    tpu.enqueue_dma source(%dma_start3A_761 : memref<224x128xf32, #tpu.memory_space<vmem>>) target(%dma_start3A_754 : memref<224x128xf32, #tpu.memory_space<hbm>>) target_semaphore(%arg15 : memref<!tpu.dma_semaphore, #tpu.memory_space<semaphore_mem>>)
    %dma_wait3A_762 = arith.constant 0 : i32
    %dma_wait3A_763 = arith.constant 0 : i32
    %dma_wait3A_764 = arith.constant 0 : i32
    %dma_wait3A_765 = tpu.memref_slice %arg7[%dma_wait3A_762, %dma_wait3A_763, %dma_wait3A_764] : memref<4x224x128xf32, #tpu.memory_space<vmem>> -> memref<1x224x128xf32, #tpu.memory_space<vmem>>
    %dma_wait3A_766 = tpu.memref_squeeze %dma_wait3A_765 : memref<1x224x128xf32, #tpu.memory_space<vmem>> -> memref<224x128xf32, #tpu.memory_space<vmem>>
    %dma_wait3A_767 = arith.constant 0 : i32
    %dma_wait3A_768 = arith.constant 0 : i32
    %dma_wait3A_769 = tpu.memref_slice %dma_wait3A_766[%dma_wait3A_767, %dma_wait3A_768] : memref<224x128xf32, #tpu.memory_space<vmem>> -> memref<224x128xf32, #tpu.memory_space<vmem>>
    %dma_wait3A_770 = arith.constant 2688 : i32
    %dma_wait3A_771 = tpu.memref_slice %arg6[%dma_wait3A_770] : memref<3128xi32, #tpu.memory_space<vmem>> -> memref<224xi32, #tpu.memory_space<vmem>>
    %dma_wait3A_772 = arith.constant 0 : i32
    %dma_wait3A_773 = arith.constant 0 : i32
    %dma_wait3A_774 = tpu.memref_slice %arg5[%dma_wait3A_772, %dma_wait3A_773] : memref<119x128xf32, #tpu.memory_space<vmem_shared>> -> memref<119x128xf32, #tpu.memory_space<vmem_shared>>
    tpu.wait_indirect_dma semaphore(%arg8 : memref<!tpu.dma_semaphore, #tpu.memory_space<semaphore_mem>>) src(%dma_wait3A_774 : memref<119x128xf32, #tpu.memory_space<vmem_shared>>) dst(%dma_wait3A_769 : memref<224x128xf32, #tpu.memory_space<vmem>>)
    %add3A_775 = arith.constant 2688 : i32
    %add3A_776 = arith.addi %mul3A_2, %add3A_775 : i32
    %dma_start3A_777 = arith.constant 0 : i32
    %dma_start3A_778 = arith.constant 0 : i32
    %dma_start3A_779 = arith.constant 0 : i32
    %dma_start3A_780 = tpu.memref_slice %arg7[%dma_start3A_777, %dma_start3A_778, %dma_start3A_779] : memref<4x224x128xf32, #tpu.memory_space<vmem>> -> memref<1x224x128xf32, #tpu.memory_space<vmem>>
    %dma_start3A_781 = tpu.memref_squeeze %dma_start3A_780 : memref<1x224x128xf32, #tpu.memory_space<vmem>> -> memref<224x128xf32, #tpu.memory_space<vmem>>
    %dma_start3A_782 = arith.constant 0 : i32
    %dma_start3A_783 = arith.constant 0 : i32
    %dma_start3A_784 = tpu.memref_slice %dma_start3A_781[%dma_start3A_782, %dma_start3A_783] : memref<224x128xf32, #tpu.memory_space<vmem>> -> memref<224x128xf32, #tpu.memory_space<vmem>>
    %dma_start3A_785 = arith.constant 0 : i32
    %dma_start3A_786 = tpu.memref_slice %arg4[%add3A_776, %dma_start3A_785] : memref<100000x128xf32, #tpu.memory_space<hbm>> -> memref<224x128xf32, #tpu.memory_space<hbm>>
    %dma_start3A_787 = arith.constant 0 : i32
    %dma_start3A_788 = tpu.memref_slice %arg4[%add3A_776, %dma_start3A_787] : memref<100000x128xf32, #tpu.memory_space<hbm>> -> memref<224x128xf32, #tpu.memory_space<hbm>>
    %dma_start3A_789 = arith.constant 0 : i32
    %dma_start3A_790 = arith.constant 0 : i32
    %dma_start3A_791 = tpu.memref_slice %arg7[%dma_start3A_777, %dma_start3A_789, %dma_start3A_790] : memref<4x224x128xf32, #tpu.memory_space<vmem>> -> memref<1x224x128xf32, #tpu.memory_space<vmem>>
    %dma_start3A_792 = tpu.memref_squeeze %dma_start3A_791 : memref<1x224x128xf32, #tpu.memory_space<vmem>> -> memref<224x128xf32, #tpu.memory_space<vmem>>
    %dma_start3A_793 = arith.constant 0 : i32
    %dma_start3A_794 = arith.constant 0 : i32
    %dma_start3A_795 = tpu.memref_slice %dma_start3A_792[%dma_start3A_793, %dma_start3A_794] : memref<224x128xf32, #tpu.memory_space<vmem>> -> memref<224x128xf32, #tpu.memory_space<vmem>>
    tpu.enqueue_dma source(%dma_start3A_795 : memref<224x128xf32, #tpu.memory_space<vmem>>) target(%dma_start3A_788 : memref<224x128xf32, #tpu.memory_space<hbm>>) target_semaphore(%arg12 : memref<!tpu.dma_semaphore, #tpu.memory_space<semaphore_mem>>)
    %dma_wait3A_796 = arith.constant 1 : i32
    %dma_wait3A_797 = arith.constant 0 : i32
    %dma_wait3A_798 = arith.constant 0 : i32
    %dma_wait3A_799 = tpu.memref_slice %arg7[%dma_wait3A_796, %dma_wait3A_797, %dma_wait3A_798] : memref<4x224x128xf32, #tpu.memory_space<vmem>> -> memref<1x224x128xf32, #tpu.memory_space<vmem>>
    %dma_wait3A_800 = tpu.memref_squeeze %dma_wait3A_799 : memref<1x224x128xf32, #tpu.memory_space<vmem>> -> memref<224x128xf32, #tpu.memory_space<vmem>>
    %dma_wait3A_801 = arith.constant 0 : i32
    %dma_wait3A_802 = arith.constant 0 : i32
    %dma_wait3A_803 = tpu.memref_slice %dma_wait3A_800[%dma_wait3A_801, %dma_wait3A_802] : memref<224x128xf32, #tpu.memory_space<vmem>> -> memref<224x128xf32, #tpu.memory_space<vmem>>
    %dma_wait3A_804 = arith.constant 0 : i32
    %dma_wait3A_805 = tpu.memref_slice %arg4[%add3A_674, %dma_wait3A_804] : memref<100000x128xf32, #tpu.memory_space<hbm>> -> memref<224x128xf32, #tpu.memory_space<hbm>>
    %dma_wait3A_806 = arith.constant 0 : i32
    %dma_wait3A_807 = tpu.memref_slice %arg4[%add3A_674, %dma_wait3A_806] : memref<100000x128xf32, #tpu.memory_space<hbm>> -> memref<224x128xf32, #tpu.memory_space<hbm>>
    %dma_wait3A_808 = arith.constant 0 : i32
    %dma_wait3A_809 = arith.constant 0 : i32
    %dma_wait3A_810 = tpu.memref_slice %arg7[%dma_wait3A_796, %dma_wait3A_808, %dma_wait3A_809] : memref<4x224x128xf32, #tpu.memory_space<vmem>> -> memref<1x224x128xf32, #tpu.memory_space<vmem>>
    %dma_wait3A_811 = tpu.memref_squeeze %dma_wait3A_810 : memref<1x224x128xf32, #tpu.memory_space<vmem>> -> memref<224x128xf32, #tpu.memory_space<vmem>>
    %dma_wait3A_812 = arith.constant 0 : i32
    %dma_wait3A_813 = arith.constant 0 : i32
    %dma_wait3A_814 = tpu.memref_slice %dma_wait3A_811[%dma_wait3A_812, %dma_wait3A_813] : memref<224x128xf32, #tpu.memory_space<vmem>> -> memref<224x128xf32, #tpu.memory_space<vmem>>
    tpu.wait_dma2 semaphore(%arg13 : memref<!tpu.dma_semaphore, #tpu.memory_space<semaphore_mem>>) src(%dma_wait3A_814 : memref<224x128xf32, #tpu.memory_space<vmem>>) dst(%dma_wait3A_807 : memref<224x128xf32, #tpu.memory_space<hbm>>)
    %not3A_815 = arith.constant true
    %not3A_816 = arith.xori %eq3A_3, %not3A_815 : i1
    %convert_element_type3A_817 = arith.extui %not3A_816 : i1 to i32
    %cond3A_818 = arith.constant 0 : i32
    %cond3A_819 = arith.cmpi ne, %convert_element_type3A_817, %cond3A_818 : i32
    scf.if %cond3A_819 {
      %dma_start3A_880 = arith.constant 1 : i32
      %dma_start3A_881 = arith.constant 0 : i32
      %dma_start3A_882 = arith.constant 0 : i32
      %dma_start3A_883 = tpu.memref_slice %arg7[%dma_start3A_880, %dma_start3A_881, %dma_start3A_882] : memref<4x224x128xf32, #tpu.memory_space<vmem>> -> memref<1x224x128xf32, #tpu.memory_space<vmem>>
      %dma_start3A_884 = tpu.memref_squeeze %dma_start3A_883 : memref<1x224x128xf32, #tpu.memory_space<vmem>> -> memref<224x128xf32, #tpu.memory_space<vmem>>
      %dma_start3A_885 = arith.constant 0 : i32
      %dma_start3A_886 = arith.constant 0 : i32
      %dma_start3A_887 = tpu.memref_slice %dma_start3A_884[%dma_start3A_885, %dma_start3A_886] : memref<224x128xf32, #tpu.memory_space<vmem>> -> memref<216x128xf32, #tpu.memory_space<vmem>>
      %dma_start3A_888 = arith.constant 2912 : i32
      %dma_start3A_889 = tpu.memref_slice %arg6[%dma_start3A_888] : memref<3128xi32, #tpu.memory_space<vmem>> -> memref<216xi32, #tpu.memory_space<vmem>>
      %dma_start3A_890 = arith.constant 0 : i32
      %dma_start3A_891 = arith.constant 0 : i32
      %dma_start3A_892 = tpu.memref_slice %arg5[%dma_start3A_890, %dma_start3A_891] : memref<119x128xf32, #tpu.memory_space<vmem_shared>> -> memref<119x128xf32, #tpu.memory_space<vmem_shared>>
      tpu.enqueue_indirect_dma source(%dma_start3A_892 : memref<119x128xf32, #tpu.memory_space<vmem_shared>>) target(%dma_start3A_887 : memref<216x128xf32, #tpu.memory_space<vmem>>) offsets(%dma_start3A_889 : memref<216xi32, #tpu.memory_space<vmem>>) semaphore(%arg9 : memref<!tpu.dma_semaphore, #tpu.memory_space<semaphore_mem>>)
      %dma_wait3A_893 = arith.constant 1 : i32
      %dma_wait3A_894 = arith.constant 0 : i32
      %dma_wait3A_895 = arith.constant 0 : i32
      %dma_wait3A_896 = tpu.memref_slice %arg7[%dma_wait3A_893, %dma_wait3A_894, %dma_wait3A_895] : memref<4x224x128xf32, #tpu.memory_space<vmem>> -> memref<1x224x128xf32, #tpu.memory_space<vmem>>
      %dma_wait3A_897 = tpu.memref_squeeze %dma_wait3A_896 : memref<1x224x128xf32, #tpu.memory_space<vmem>> -> memref<224x128xf32, #tpu.memory_space<vmem>>
      %dma_wait3A_898 = arith.constant 0 : i32
      %dma_wait3A_899 = arith.constant 0 : i32
      %dma_wait3A_900 = tpu.memref_slice %dma_wait3A_897[%dma_wait3A_898, %dma_wait3A_899] : memref<224x128xf32, #tpu.memory_space<vmem>> -> memref<216x128xf32, #tpu.memory_space<vmem>>
      %dma_wait3A_901 = arith.constant 2912 : i32
      %dma_wait3A_902 = tpu.memref_slice %arg6[%dma_wait3A_901] : memref<3128xi32, #tpu.memory_space<vmem>> -> memref<216xi32, #tpu.memory_space<vmem>>
      %dma_wait3A_903 = arith.constant 0 : i32
      %dma_wait3A_904 = arith.constant 0 : i32
      %dma_wait3A_905 = tpu.memref_slice %arg5[%dma_wait3A_903, %dma_wait3A_904] : memref<119x128xf32, #tpu.memory_space<vmem_shared>> -> memref<119x128xf32, #tpu.memory_space<vmem_shared>>
      tpu.wait_indirect_dma semaphore(%arg9 : memref<!tpu.dma_semaphore, #tpu.memory_space<semaphore_mem>>) src(%dma_wait3A_905 : memref<119x128xf32, #tpu.memory_space<vmem_shared>>) dst(%dma_wait3A_900 : memref<216x128xf32, #tpu.memory_space<vmem>>)
      %add3A_906 = arith.constant 2912 : i32
      %add3A_907 = arith.addi %mul3A_2, %add3A_906 : i32
      %dma_start3A_908 = arith.constant 1 : i32
      %dma_start3A_909 = arith.constant 0 : i32
      %dma_start3A_910 = arith.constant 0 : i32
      %dma_start3A_911 = tpu.memref_slice %arg7[%dma_start3A_908, %dma_start3A_909, %dma_start3A_910] : memref<4x224x128xf32, #tpu.memory_space<vmem>> -> memref<1x224x128xf32, #tpu.memory_space<vmem>>
      %dma_start3A_912 = tpu.memref_squeeze %dma_start3A_911 : memref<1x224x128xf32, #tpu.memory_space<vmem>> -> memref<224x128xf32, #tpu.memory_space<vmem>>
      %dma_start3A_913 = arith.constant 0 : i32
      %dma_start3A_914 = arith.constant 0 : i32
      %dma_start3A_915 = tpu.memref_slice %dma_start3A_912[%dma_start3A_913, %dma_start3A_914] : memref<224x128xf32, #tpu.memory_space<vmem>> -> memref<216x128xf32, #tpu.memory_space<vmem>>
      %dma_start3A_916 = arith.constant 0 : i32
      %dma_start3A_917 = tpu.memref_slice %arg4[%add3A_907, %dma_start3A_916] : memref<100000x128xf32, #tpu.memory_space<hbm>> -> memref<216x128xf32, #tpu.memory_space<hbm>>
      %dma_start3A_918 = arith.constant 0 : i32
      %dma_start3A_919 = tpu.memref_slice %arg4[%add3A_907, %dma_start3A_918] : memref<100000x128xf32, #tpu.memory_space<hbm>> -> memref<216x128xf32, #tpu.memory_space<hbm>>
      %dma_start3A_920 = arith.constant 0 : i32
      %dma_start3A_921 = arith.constant 0 : i32
      %dma_start3A_922 = tpu.memref_slice %arg7[%dma_start3A_908, %dma_start3A_920, %dma_start3A_921] : memref<4x224x128xf32, #tpu.memory_space<vmem>> -> memref<1x224x128xf32, #tpu.memory_space<vmem>>
      %dma_start3A_923 = tpu.memref_squeeze %dma_start3A_922 : memref<1x224x128xf32, #tpu.memory_space<vmem>> -> memref<224x128xf32, #tpu.memory_space<vmem>>
      %dma_start3A_924 = arith.constant 0 : i32
      %dma_start3A_925 = arith.constant 0 : i32
      %dma_start3A_926 = tpu.memref_slice %dma_start3A_923[%dma_start3A_924, %dma_start3A_925] : memref<224x128xf32, #tpu.memory_space<vmem>> -> memref<216x128xf32, #tpu.memory_space<vmem>>
      tpu.enqueue_dma source(%dma_start3A_926 : memref<216x128xf32, #tpu.memory_space<vmem>>) target(%dma_start3A_919 : memref<216x128xf32, #tpu.memory_space<hbm>>) target_semaphore(%arg13 : memref<!tpu.dma_semaphore, #tpu.memory_space<semaphore_mem>>)
      %dma_wait3A_927 = arith.constant 1 : i32
      %dma_wait3A_928 = arith.constant 0 : i32
      %dma_wait3A_929 = arith.constant 0 : i32
      %dma_wait3A_930 = tpu.memref_slice %arg7[%dma_wait3A_927, %dma_wait3A_928, %dma_wait3A_929] : memref<4x224x128xf32, #tpu.memory_space<vmem>> -> memref<1x224x128xf32, #tpu.memory_space<vmem>>
      %dma_wait3A_931 = tpu.memref_squeeze %dma_wait3A_930 : memref<1x224x128xf32, #tpu.memory_space<vmem>> -> memref<224x128xf32, #tpu.memory_space<vmem>>
      %dma_wait3A_932 = arith.constant 0 : i32
      %dma_wait3A_933 = arith.constant 0 : i32
      %dma_wait3A_934 = tpu.memref_slice %dma_wait3A_931[%dma_wait3A_932, %dma_wait3A_933] : memref<224x128xf32, #tpu.memory_space<vmem>> -> memref<216x128xf32, #tpu.memory_space<vmem>>
      %dma_wait3A_935 = arith.constant 0 : i32
      %dma_wait3A_936 = tpu.memref_slice %arg4[%add3A_907, %dma_wait3A_935] : memref<100000x128xf32, #tpu.memory_space<hbm>> -> memref<216x128xf32, #tpu.memory_space<hbm>>
      %dma_wait3A_937 = arith.constant 0 : i32
      %dma_wait3A_938 = tpu.memref_slice %arg4[%add3A_907, %dma_wait3A_937] : memref<100000x128xf32, #tpu.memory_space<hbm>> -> memref<216x128xf32, #tpu.memory_space<hbm>>
      %dma_wait3A_939 = arith.constant 0 : i32
      %dma_wait3A_940 = arith.constant 0 : i32
      %dma_wait3A_941 = tpu.memref_slice %arg7[%dma_wait3A_927, %dma_wait3A_939, %dma_wait3A_940] : memref<4x224x128xf32, #tpu.memory_space<vmem>> -> memref<1x224x128xf32, #tpu.memory_space<vmem>>
      %dma_wait3A_942 = tpu.memref_squeeze %dma_wait3A_941 : memref<1x224x128xf32, #tpu.memory_space<vmem>> -> memref<224x128xf32, #tpu.memory_space<vmem>>
      %dma_wait3A_943 = arith.constant 0 : i32
      %dma_wait3A_944 = arith.constant 0 : i32
      %dma_wait3A_945 = tpu.memref_slice %dma_wait3A_942[%dma_wait3A_943, %dma_wait3A_944] : memref<224x128xf32, #tpu.memory_space<vmem>> -> memref<216x128xf32, #tpu.memory_space<vmem>>
      tpu.wait_dma2 semaphore(%arg13 : memref<!tpu.dma_semaphore, #tpu.memory_space<semaphore_mem>>) src(%dma_wait3A_945 : memref<216x128xf32, #tpu.memory_space<vmem>>) dst(%dma_wait3A_938 : memref<216x128xf32, #tpu.memory_space<hbm>>)
    } else {
    }
    %convert_element_type3A_820 = arith.extui %eq3A_3 : i1 to i32
    %cond3A_821 = arith.constant 0 : i32
    %cond3A_822 = arith.cmpi ne, %convert_element_type3A_820, %cond3A_821 : i32
    scf.if %cond3A_822 {
      %dma_start3A_880 = arith.constant 1 : i32
      %dma_start3A_881 = arith.constant 0 : i32
      %dma_start3A_882 = arith.constant 0 : i32
      %dma_start3A_883 = tpu.memref_slice %arg7[%dma_start3A_880, %dma_start3A_881, %dma_start3A_882] : memref<4x224x128xf32, #tpu.memory_space<vmem>> -> memref<1x224x128xf32, #tpu.memory_space<vmem>>
      %dma_start3A_884 = tpu.memref_squeeze %dma_start3A_883 : memref<1x224x128xf32, #tpu.memory_space<vmem>> -> memref<224x128xf32, #tpu.memory_space<vmem>>
      %dma_start3A_885 = arith.constant 0 : i32
      %dma_start3A_886 = arith.constant 0 : i32
      %dma_start3A_887 = tpu.memref_slice %dma_start3A_884[%dma_start3A_885, %dma_start3A_886] : memref<224x128xf32, #tpu.memory_space<vmem>> -> memref<120x128xf32, #tpu.memory_space<vmem>>
      %dma_start3A_888 = arith.constant 2912 : i32
      %dma_start3A_889 = tpu.memref_slice %arg6[%dma_start3A_888] : memref<3128xi32, #tpu.memory_space<vmem>> -> memref<120xi32, #tpu.memory_space<vmem>>
      %dma_start3A_890 = arith.constant 0 : i32
      %dma_start3A_891 = arith.constant 0 : i32
      %dma_start3A_892 = tpu.memref_slice %arg5[%dma_start3A_890, %dma_start3A_891] : memref<119x128xf32, #tpu.memory_space<vmem_shared>> -> memref<119x128xf32, #tpu.memory_space<vmem_shared>>
      tpu.enqueue_indirect_dma source(%dma_start3A_892 : memref<119x128xf32, #tpu.memory_space<vmem_shared>>) target(%dma_start3A_887 : memref<120x128xf32, #tpu.memory_space<vmem>>) offsets(%dma_start3A_889 : memref<120xi32, #tpu.memory_space<vmem>>) semaphore(%arg9 : memref<!tpu.dma_semaphore, #tpu.memory_space<semaphore_mem>>)
      %dma_wait3A_893 = arith.constant 1 : i32
      %dma_wait3A_894 = arith.constant 0 : i32
      %dma_wait3A_895 = arith.constant 0 : i32
      %dma_wait3A_896 = tpu.memref_slice %arg7[%dma_wait3A_893, %dma_wait3A_894, %dma_wait3A_895] : memref<4x224x128xf32, #tpu.memory_space<vmem>> -> memref<1x224x128xf32, #tpu.memory_space<vmem>>
      %dma_wait3A_897 = tpu.memref_squeeze %dma_wait3A_896 : memref<1x224x128xf32, #tpu.memory_space<vmem>> -> memref<224x128xf32, #tpu.memory_space<vmem>>
      %dma_wait3A_898 = arith.constant 0 : i32
      %dma_wait3A_899 = arith.constant 0 : i32
      %dma_wait3A_900 = tpu.memref_slice %dma_wait3A_897[%dma_wait3A_898, %dma_wait3A_899] : memref<224x128xf32, #tpu.memory_space<vmem>> -> memref<120x128xf32, #tpu.memory_space<vmem>>
      %dma_wait3A_901 = arith.constant 2912 : i32
      %dma_wait3A_902 = tpu.memref_slice %arg6[%dma_wait3A_901] : memref<3128xi32, #tpu.memory_space<vmem>> -> memref<120xi32, #tpu.memory_space<vmem>>
      %dma_wait3A_903 = arith.constant 0 : i32
      %dma_wait3A_904 = arith.constant 0 : i32
      %dma_wait3A_905 = tpu.memref_slice %arg5[%dma_wait3A_903, %dma_wait3A_904] : memref<119x128xf32, #tpu.memory_space<vmem_shared>> -> memref<119x128xf32, #tpu.memory_space<vmem_shared>>
      tpu.wait_indirect_dma semaphore(%arg9 : memref<!tpu.dma_semaphore, #tpu.memory_space<semaphore_mem>>) src(%dma_wait3A_905 : memref<119x128xf32, #tpu.memory_space<vmem_shared>>) dst(%dma_wait3A_900 : memref<120x128xf32, #tpu.memory_space<vmem>>)
      %add3A_906 = arith.constant 2912 : i32
      %add3A_907 = arith.addi %mul3A_2, %add3A_906 : i32
      %dma_start3A_908 = arith.constant 1 : i32
      %dma_start3A_909 = arith.constant 0 : i32
      %dma_start3A_910 = arith.constant 0 : i32
      %dma_start3A_911 = tpu.memref_slice %arg7[%dma_start3A_908, %dma_start3A_909, %dma_start3A_910] : memref<4x224x128xf32, #tpu.memory_space<vmem>> -> memref<1x224x128xf32, #tpu.memory_space<vmem>>
      %dma_start3A_912 = tpu.memref_squeeze %dma_start3A_911 : memref<1x224x128xf32, #tpu.memory_space<vmem>> -> memref<224x128xf32, #tpu.memory_space<vmem>>
      %dma_start3A_913 = arith.constant 0 : i32
      %dma_start3A_914 = arith.constant 0 : i32
      %dma_start3A_915 = tpu.memref_slice %dma_start3A_912[%dma_start3A_913, %dma_start3A_914] : memref<224x128xf32, #tpu.memory_space<vmem>> -> memref<120x128xf32, #tpu.memory_space<vmem>>
      %dma_start3A_916 = arith.constant 0 : i32
      %dma_start3A_917 = tpu.memref_slice %arg4[%add3A_907, %dma_start3A_916] : memref<100000x128xf32, #tpu.memory_space<hbm>> -> memref<120x128xf32, #tpu.memory_space<hbm>>
      %dma_start3A_918 = arith.constant 0 : i32
      %dma_start3A_919 = tpu.memref_slice %arg4[%add3A_907, %dma_start3A_918] : memref<100000x128xf32, #tpu.memory_space<hbm>> -> memref<120x128xf32, #tpu.memory_space<hbm>>
      %dma_start3A_920 = arith.constant 0 : i32
      %dma_start3A_921 = arith.constant 0 : i32
      %dma_start3A_922 = tpu.memref_slice %arg7[%dma_start3A_908, %dma_start3A_920, %dma_start3A_921] : memref<4x224x128xf32, #tpu.memory_space<vmem>> -> memref<1x224x128xf32, #tpu.memory_space<vmem>>
      %dma_start3A_923 = tpu.memref_squeeze %dma_start3A_922 : memref<1x224x128xf32, #tpu.memory_space<vmem>> -> memref<224x128xf32, #tpu.memory_space<vmem>>
      %dma_start3A_924 = arith.constant 0 : i32
      %dma_start3A_925 = arith.constant 0 : i32
      %dma_start3A_926 = tpu.memref_slice %dma_start3A_923[%dma_start3A_924, %dma_start3A_925] : memref<224x128xf32, #tpu.memory_space<vmem>> -> memref<120x128xf32, #tpu.memory_space<vmem>>
      tpu.enqueue_dma source(%dma_start3A_926 : memref<120x128xf32, #tpu.memory_space<vmem>>) target(%dma_start3A_919 : memref<120x128xf32, #tpu.memory_space<hbm>>) target_semaphore(%arg13 : memref<!tpu.dma_semaphore, #tpu.memory_space<semaphore_mem>>)
      %dma_wait3A_927 = arith.constant 1 : i32
      %dma_wait3A_928 = arith.constant 0 : i32
      %dma_wait3A_929 = arith.constant 0 : i32
      %dma_wait3A_930 = tpu.memref_slice %arg7[%dma_wait3A_927, %dma_wait3A_928, %dma_wait3A_929] : memref<4x224x128xf32, #tpu.memory_space<vmem>> -> memref<1x224x128xf32, #tpu.memory_space<vmem>>
      %dma_wait3A_931 = tpu.memref_squeeze %dma_wait3A_930 : memref<1x224x128xf32, #tpu.memory_space<vmem>> -> memref<224x128xf32, #tpu.memory_space<vmem>>
      %dma_wait3A_932 = arith.constant 0 : i32
      %dma_wait3A_933 = arith.constant 0 : i32
      %dma_wait3A_934 = tpu.memref_slice %dma_wait3A_931[%dma_wait3A_932, %dma_wait3A_933] : memref<224x128xf32, #tpu.memory_space<vmem>> -> memref<120x128xf32, #tpu.memory_space<vmem>>
      %dma_wait3A_935 = arith.constant 0 : i32
      %dma_wait3A_936 = tpu.memref_slice %arg4[%add3A_907, %dma_wait3A_935] : memref<100000x128xf32, #tpu.memory_space<hbm>> -> memref<120x128xf32, #tpu.memory_space<hbm>>
      %dma_wait3A_937 = arith.constant 0 : i32
      %dma_wait3A_938 = tpu.memref_slice %arg4[%add3A_907, %dma_wait3A_937] : memref<100000x128xf32, #tpu.memory_space<hbm>> -> memref<120x128xf32, #tpu.memory_space<hbm>>
      %dma_wait3A_939 = arith.constant 0 : i32
      %dma_wait3A_940 = arith.constant 0 : i32
      %dma_wait3A_941 = tpu.memref_slice %arg7[%dma_wait3A_927, %dma_wait3A_939, %dma_wait3A_940] : memref<4x224x128xf32, #tpu.memory_space<vmem>> -> memref<1x224x128xf32, #tpu.memory_space<vmem>>
      %dma_wait3A_942 = tpu.memref_squeeze %dma_wait3A_941 : memref<1x224x128xf32, #tpu.memory_space<vmem>> -> memref<224x128xf32, #tpu.memory_space<vmem>>
      %dma_wait3A_943 = arith.constant 0 : i32
      %dma_wait3A_944 = arith.constant 0 : i32
      %dma_wait3A_945 = tpu.memref_slice %dma_wait3A_942[%dma_wait3A_943, %dma_wait3A_944] : memref<224x128xf32, #tpu.memory_space<vmem>> -> memref<120x128xf32, #tpu.memory_space<vmem>>
      tpu.wait_dma2 semaphore(%arg13 : memref<!tpu.dma_semaphore, #tpu.memory_space<semaphore_mem>>) src(%dma_wait3A_945 : memref<120x128xf32, #tpu.memory_space<vmem>>) dst(%dma_wait3A_938 : memref<120x128xf32, #tpu.memory_space<hbm>>)
    } else {
    }
    %dma_wait3A_823 = arith.constant 0 : i32
    %dma_wait3A_824 = arith.constant 0 : i32
    %dma_wait3A_825 = arith.constant 0 : i32
    %dma_wait3A_826 = tpu.memref_slice %arg7[%dma_wait3A_823, %dma_wait3A_824, %dma_wait3A_825] : memref<4x224x128xf32, #tpu.memory_space<vmem>> -> memref<1x224x128xf32, #tpu.memory_space<vmem>>
    %dma_wait3A_827 = tpu.memref_squeeze %dma_wait3A_826 : memref<1x224x128xf32, #tpu.memory_space<vmem>> -> memref<224x128xf32, #tpu.memory_space<vmem>>
    %dma_wait3A_828 = arith.constant 0 : i32
    %dma_wait3A_829 = arith.constant 0 : i32
    %dma_wait3A_830 = tpu.memref_slice %dma_wait3A_827[%dma_wait3A_828, %dma_wait3A_829] : memref<224x128xf32, #tpu.memory_space<vmem>> -> memref<224x128xf32, #tpu.memory_space<vmem>>
    %dma_wait3A_831 = arith.constant 0 : i32
    %dma_wait3A_832 = tpu.memref_slice %arg4[%add3A_776, %dma_wait3A_831] : memref<100000x128xf32, #tpu.memory_space<hbm>> -> memref<224x128xf32, #tpu.memory_space<hbm>>
    %dma_wait3A_833 = arith.constant 0 : i32
    %dma_wait3A_834 = tpu.memref_slice %arg4[%add3A_776, %dma_wait3A_833] : memref<100000x128xf32, #tpu.memory_space<hbm>> -> memref<224x128xf32, #tpu.memory_space<hbm>>
    %dma_wait3A_835 = arith.constant 0 : i32
    %dma_wait3A_836 = arith.constant 0 : i32
    %dma_wait3A_837 = tpu.memref_slice %arg7[%dma_wait3A_823, %dma_wait3A_835, %dma_wait3A_836] : memref<4x224x128xf32, #tpu.memory_space<vmem>> -> memref<1x224x128xf32, #tpu.memory_space<vmem>>
    %dma_wait3A_838 = tpu.memref_squeeze %dma_wait3A_837 : memref<1x224x128xf32, #tpu.memory_space<vmem>> -> memref<224x128xf32, #tpu.memory_space<vmem>>
    %dma_wait3A_839 = arith.constant 0 : i32
    %dma_wait3A_840 = arith.constant 0 : i32
    %dma_wait3A_841 = tpu.memref_slice %dma_wait3A_838[%dma_wait3A_839, %dma_wait3A_840] : memref<224x128xf32, #tpu.memory_space<vmem>> -> memref<224x128xf32, #tpu.memory_space<vmem>>
    tpu.wait_dma2 semaphore(%arg12 : memref<!tpu.dma_semaphore, #tpu.memory_space<semaphore_mem>>) src(%dma_wait3A_841 : memref<224x128xf32, #tpu.memory_space<vmem>>) dst(%dma_wait3A_834 : memref<224x128xf32, #tpu.memory_space<hbm>>)
    %dma_wait3A_842 = arith.constant 2 : i32
    %dma_wait3A_843 = arith.constant 0 : i32
    %dma_wait3A_844 = arith.constant 0 : i32
    %dma_wait3A_845 = tpu.memref_slice %arg7[%dma_wait3A_842, %dma_wait3A_843, %dma_wait3A_844] : memref<4x224x128xf32, #tpu.memory_space<vmem>> -> memref<1x224x128xf32, #tpu.memory_space<vmem>>
    %dma_wait3A_846 = tpu.memref_squeeze %dma_wait3A_845 : memref<1x224x128xf32, #tpu.memory_space<vmem>> -> memref<224x128xf32, #tpu.memory_space<vmem>>
    %dma_wait3A_847 = arith.constant 0 : i32
    %dma_wait3A_848 = arith.constant 0 : i32
    %dma_wait3A_849 = tpu.memref_slice %dma_wait3A_846[%dma_wait3A_847, %dma_wait3A_848] : memref<224x128xf32, #tpu.memory_space<vmem>> -> memref<224x128xf32, #tpu.memory_space<vmem>>
    %dma_wait3A_850 = arith.constant 0 : i32
    %dma_wait3A_851 = tpu.memref_slice %arg4[%add3A_708, %dma_wait3A_850] : memref<100000x128xf32, #tpu.memory_space<hbm>> -> memref<224x128xf32, #tpu.memory_space<hbm>>
    %dma_wait3A_852 = arith.constant 0 : i32
    %dma_wait3A_853 = tpu.memref_slice %arg4[%add3A_708, %dma_wait3A_852] : memref<100000x128xf32, #tpu.memory_space<hbm>> -> memref<224x128xf32, #tpu.memory_space<hbm>>
    %dma_wait3A_854 = arith.constant 0 : i32
    %dma_wait3A_855 = arith.constant 0 : i32
    %dma_wait3A_856 = tpu.memref_slice %arg7[%dma_wait3A_842, %dma_wait3A_854, %dma_wait3A_855] : memref<4x224x128xf32, #tpu.memory_space<vmem>> -> memref<1x224x128xf32, #tpu.memory_space<vmem>>
    %dma_wait3A_857 = tpu.memref_squeeze %dma_wait3A_856 : memref<1x224x128xf32, #tpu.memory_space<vmem>> -> memref<224x128xf32, #tpu.memory_space<vmem>>
    %dma_wait3A_858 = arith.constant 0 : i32
    %dma_wait3A_859 = arith.constant 0 : i32
    %dma_wait3A_860 = tpu.memref_slice %dma_wait3A_857[%dma_wait3A_858, %dma_wait3A_859] : memref<224x128xf32, #tpu.memory_space<vmem>> -> memref<224x128xf32, #tpu.memory_space<vmem>>
    tpu.wait_dma2 semaphore(%arg14 : memref<!tpu.dma_semaphore, #tpu.memory_space<semaphore_mem>>) src(%dma_wait3A_860 : memref<224x128xf32, #tpu.memory_space<vmem>>) dst(%dma_wait3A_853 : memref<224x128xf32, #tpu.memory_space<hbm>>)
    %dma_wait3A_861 = arith.constant 3 : i32
    %dma_wait3A_862 = arith.constant 0 : i32
    %dma_wait3A_863 = arith.constant 0 : i32
    %dma_wait3A_864 = tpu.memref_slice %arg7[%dma_wait3A_861, %dma_wait3A_862, %dma_wait3A_863] : memref<4x224x128xf32, #tpu.memory_space<vmem>> -> memref<1x224x128xf32, #tpu.memory_space<vmem>>
    %dma_wait3A_865 = tpu.memref_squeeze %dma_wait3A_864 : memref<1x224x128xf32, #tpu.memory_space<vmem>> -> memref<224x128xf32, #tpu.memory_space<vmem>>
    %dma_wait3A_866 = arith.constant 0 : i32
    %dma_wait3A_867 = arith.constant 0 : i32
    %dma_wait3A_868 = tpu.memref_slice %dma_wait3A_865[%dma_wait3A_866, %dma_wait3A_867] : memref<224x128xf32, #tpu.memory_space<vmem>> -> memref<224x128xf32, #tpu.memory_space<vmem>>
    %dma_wait3A_869 = arith.constant 0 : i32
    %dma_wait3A_870 = tpu.memref_slice %arg4[%add3A_742, %dma_wait3A_869] : memref<100000x128xf32, #tpu.memory_space<hbm>> -> memref<224x128xf32, #tpu.memory_space<hbm>>
    %dma_wait3A_871 = arith.constant 0 : i32
    %dma_wait3A_872 = tpu.memref_slice %arg4[%add3A_742, %dma_wait3A_871] : memref<100000x128xf32, #tpu.memory_space<hbm>> -> memref<224x128xf32, #tpu.memory_space<hbm>>
    %dma_wait3A_873 = arith.constant 0 : i32
    %dma_wait3A_874 = arith.constant 0 : i32
    %dma_wait3A_875 = tpu.memref_slice %arg7[%dma_wait3A_861, %dma_wait3A_873, %dma_wait3A_874] : memref<4x224x128xf32, #tpu.memory_space<vmem>> -> memref<1x224x128xf32, #tpu.memory_space<vmem>>
    %dma_wait3A_876 = tpu.memref_squeeze %dma_wait3A_875 : memref<1x224x128xf32, #tpu.memory_space<vmem>> -> memref<224x128xf32, #tpu.memory_space<vmem>>
    %dma_wait3A_877 = arith.constant 0 : i32
    %dma_wait3A_878 = arith.constant 0 : i32
    %dma_wait3A_879 = tpu.memref_slice %dma_wait3A_876[%dma_wait3A_877, %dma_wait3A_878] : memref<224x128xf32, #tpu.memory_space<vmem>> -> memref<224x128xf32, #tpu.memory_space<vmem>>
    tpu.wait_dma2 semaphore(%arg15 : memref<!tpu.dma_semaphore, #tpu.memory_space<semaphore_mem>>) src(%dma_wait3A_879 : memref<224x128xf32, #tpu.memory_space<vmem>>) dst(%dma_wait3A_872 : memref<224x128xf32, #tpu.memory_space<hbm>>)
    return
  }
}

</mosaic_0001>

<sc_bundles>
// kernel: kernel.3.cloned.1.call-start
scs
__scs_entry_jumppad:
0x0: {  	(pc) =	sbr.rel $0x88, $3  }
0x1: {  	(tag) =	ssettag $0x0;
	lr =	simm.s32 $0x1  }
0x2: {  	[smem:$0x3F9F] =	sst lr;
	_ =	strace $0xD0000000  }
0x3: {  	_ = 	snop  }
0x4: {  	_ = 	snop  }
0x5: {  	_ = 	snop  }
0x6: {  	_ = 	snop  }
0x7: {  	_ = 	snop  }
__scs_overlays_trampoline_lowered:
0x8: {  	[smem:$0x3FAE] =	sst s0  }
0x9: {  	[smem:$0x3FAF] =	sst s1  }
0xa: {  	[smem:$0x3FB0] =	sst s2  }
0xb: {  	[smem:$0x3FB1] =	sst s3  }
0xc: {  	[smem:$0x3FB2] =	sst s4  }
0xd: {  	[smem:$0x3FB3] =	sst s5  }
0xe: {  	[smem:$0x3FB4] =	sst s6  }
0xf: {  	[smem:$0x3FB5] =	sst s7  }
0x10: {  	[smem:$0x3FB6] =	sst s8  }
0x11: {  	[smem:$0x3FB7] =	sst s9;
	s0 =	simm.s32 @!p0 $0x0  }
0x12: {  	s1 =	sld [smem:$0x3F9D];
	s0 =	simm.s32 @p0 $0x1  }
0x13: {  	[smem:$0x3FB8] =	sst s0;
	s0 =	simm.s32 @!p1 $0x0  }
0x14: {  	s2 =	sld [smem:$0x3F9C];
	s0 =	simm.s32 @p1 $0x1  }
0x15: {  	[smem:$0x3FB9] =	sst s0;
	s0 =	simm.s32 @!p2 $0x0  }
0x16: {  	s3 =	sld [smem:$0x3FDB];
	s0 =	simm.s32 @p2 $0x1  }
0x17: {  	s4 =	simm.s32 $0x1BF5;
	[smem:$0x3FBB] =	sst s0  }
0x18: {  	s0 =	sld [smem:$0x3F9E];
	_ =	swait.ge [sflag:s4], $0x0  }
0x19: {  	s7 =	sld [smem:$0x3F9F]  }
0x1a: {  	s8 =	sadd.s32 $0xFFFFE003, lr  }
0x1b: {  	s9 =	sadd.s32 $0xFFFFFEF7, lr;
	s5 =	simm.s32 $0xFFFFFFFF;
	p2 =	slt.u32 s8, $0xFFFFF086  }
0x1c: {  	p1 =	slt.u32 s9, $0xF7A;
	s5 =	simm.s32 @!p2 $0x0  }
0x1d: {  	s5 =	simm.s32 @p1 $0x1;
	p0 =	seq.s32 s7, s2  }
0x1e: {  	s7 =	smul.u32 @!p0 $0xF7A, s2;
	p2 =	seq.s32 @!p0 s5, $0x0  }
0x1f: {  	s9 =	smul.u32 $0xF7A, s1;
	s8 =	simm.s32 @!p0 $0x1BF5;
	p2 =	por !p2, p0  }
0x20: {  	[sflag:s8] =	ssyncset.s32 @!p0 $0xFFFFF086;
	s6 =	sadd.s32 @!p0 s3, s7;
	s7 =	simm.s32 @!p0 $0x108  }
0x21: {  	s3 =	sadd.s32 s3, s9;
	s6 =	sadd.s32 @!p0 $0x88, s6;
	s7 =	simm.s32 @p2 $0x1082  }
0x22: {  	[simem:s7], [sflag:s8] =	dma.local @!p0 [hbm:s6], $0xF7A  }
0x23: {  	s9 =	sor.u32 $0xD0000000, s2;
	s6 =	simm.s32 $0x108;
	_ =	swait.ge @!p0 [sflag:s8], $0x0  }
0x24: {  	s3 =	sadd.s32 $0x88, s3;
	s6 =	simm.s32 @!p1 $0x1082;
	[sflag:s4] =	ssyncset.s32 $0xFFFFF086  }
0x25: {  	[simem:s6], [sflag:s4] =	dma.local [hbm:s3], $0xF7A  }
0x26: {  	[smem:$0x3F9F] =	sst s1;
	(tag) =	ssettag s2;
	_ =	strace s9  }
0x27: {  	s1 =	sld [smem:$0x3FAF]  }
0x28: {  	s2 =	sld [smem:$0x3FB0]  }
0x29: {  	s4 =	sld [smem:$0x3FB2]  }
0x2a: {  	p0 =	seq.s32 s5, $0x0;
	s5 =	sld [smem:$0x3FB3]  }
0x2b: {  	s6 =	sld [smem:$0x3FB4]  }
0x2c: {  	s7 =	sld [smem:$0x3FB5]  }
0x2d: {  	s3 =	simm.s32 $0x108;
	s8 =	sld [smem:$0x3FB6]  }
0x2e: {  	s3 =	simm.s32 @!p0 $0x1082;
	s9 =	sld [smem:$0x3FB7]  }
0x2f: {  	lr =	sadd.s32 s0, s3;
	s0 =	sld [smem:$0x3FAE]  }
0x30: {  	s3 =	sld [smem:$0x3FB1]  }
0x31: {  	[smem:$0x3FBA] =	sst s10  }
0x32: {  	s10 =	sld [smem:$0x3FB8];
	_ =	sdelay $0x3  }
0x33: {  	p0 =	seq.s32 s10, $0x1;
	s10 =	sld [smem:$0x3FBA];
	_ =	sdelay $0x3  }
0x34: {  	[smem:$0x3FBA] =	sst s10  }
0x35: {  	s10 =	sld [smem:$0x3FB9];
	_ =	sdelay $0x3  }
0x36: {  	p1 =	seq.s32 s10, $0x1;
	s10 =	sld [smem:$0x3FBA];
	_ =	sdelay $0x3  }
0x37: {  	[smem:$0x3FBA] =	sst s10  }
0x38: {  	s10 =	sld [smem:$0x3FBB]  }
0x39: {  	_ = 	snop;
	(pc) =	sbr.ind lr, $3  }
0x3a: {  	_ = 	snop  }
0x3b: {  	_ = 	snop  }
0x3c: {  	p2 =	seq.s32 s10, $0x1;
	s10 =	sld [smem:$0x3FBA]  }
0x3d: {  	_ =	shalt  }
0x3e: {  	_ =	shalt  }
0x3f: {  	_ =	shalt  }
0x40: {  	_ =	shalt  }
0x41: {  	_ =	shalt  }
0x42: {  	_ =	shalt  }
0x43: {  	_ =	shalt  }
0x44: {  	_ =	shalt  }
0x45: {  	_ =	shalt  }
0x46: {  	_ =	shalt  }
0x47: {  	_ =	shalt  }
0x48: {  	_ =	shalt  }
0x49: {  	_ =	shalt  }
0x4a: {  	_ =	shalt  }
0x4b: {  	_ =	shalt  }
0x4c: {  	_ =	shalt  }
0x4d: {  	_ =	shalt  }
0x4e: {  	_ =	shalt  }
0x4f: {  	_ =	shalt  }
0x50: {  	_ =	shalt  }
0x51: {  	_ =	shalt  }
0x52: {  	_ =	shalt  }
0x53: {  	_ =	shalt  }
0x54: {  	_ =	shalt  }
0x55: {  	_ =	shalt  }
0x56: {  	_ =	shalt  }
0x57: {  	_ =	shalt  }
0x58: {  	_ =	shalt  }
0x59: {  	_ =	shalt  }
0x5a: {  	_ =	shalt  }
0x5b: {  	_ =	shalt  }
0x5c: {  	_ =	shalt  }
0x5d: {  	_ =	shalt  }
0x5e: {  	_ =	shalt  }
0x5f: {  	_ =	shalt  }
0x60: {  	_ =	shalt  }
0x61: {  	_ =	shalt  }
0x62: {  	_ =	shalt  }
0x63: {  	_ =	shalt  }
0x64: {  	_ =	shalt  }
0x65: {  	_ =	shalt  }
0x66: {  	_ =	shalt  }
0x67: {  	_ =	shalt  }
0x68: {  	_ =	shalt  }
0x69: {  	_ =	shalt  }
0x6a: {  	_ =	shalt  }
0x6b: {  	_ =	shalt  }
0x6c: {  	_ =	shalt  }
0x6d: {  	_ =	shalt  }
0x6e: {  	_ =	shalt  }
0x6f: {  	_ =	shalt  }
0x70: {  	_ =	shalt  }
0x71: {  	_ =	shalt  }
0x72: {  	_ =	shalt  }
0x73: {  	_ =	shalt  }
0x74: {  	_ =	shalt  }
0x75: {  	_ =	shalt  }
0x76: {  	_ =	shalt  }
0x77: {  	_ =	shalt  }
0x78: {  	_ =	shalt  }
0x79: {  	_ =	shalt  }
0x7a: {  	_ =	shalt  }
0x7b: {  	_ =	shalt  }
0x7c: {  	_ =	shalt  }
0x7d: {  	_ =	shalt  }
0x7e: {  	_ =	shalt  }
0x7f: {  	_ =	shalt  }
0x80: {  	_ =	shalt  }
0x81: {  	_ =	shalt  }
0x82: {  	_ =	shalt  }
0x83: {  	_ =	shalt  }
0x84: {  	_ =	shalt  }
0x85: {  	_ =	shalt  }
0x86: {  	_ =	shalt  }
0x87: {  	_ =	shalt  }
.Lfunc_end0:
.L_simem_size_0:
called_computation_lowered:
.L_overlay_start_0:
0x88: {  	s2 =	sld [smem:$0x3FD9]  }
0x89: {  	s3 =	sld [smem:$0x3FFE];
	_ =	sdelay $0x1  }
0x8a: {  	s1 =	srdreg.scid  }
0x8b: {  	s0 =	sand.u32 $0x1, s1  }
0x8c: {  	s18 =	sshll.u32 s0, $0xA;
	s2 =	sadd.s32 s3, s2  }
0x8d: {  	s2 =	sadd.s32 s2, s18  }
0x8e: {  	[smem:$0x3FC6] =	sst s2  }
0x8f: {  	_ = 	snop  }
0x90: {  	s2 =	sld [smem:$0x3FC9]  }
0x91: {  	s19 =	sld [smem:$0x3FC8]  }
0x92: {  	s4 =	sld [smem:$0x3FD0];
	(tm) =	ssettm $0x1  }
0x93: {  	s5 =	sld [smem:$0x3FFB];
	_ =	sdelay $0x3  }
0x94: {  	_ =	strace s5  }
0x95: {  	s5 =	sld [smem:$0x3FFC];
	_ =	sdelay $0x3  }
0x96: {  	_ =	strace s5  }
0x97: {  	s5 =	sld [smem:$0x3FFD];
	_ =	sdelay $0x3  }
0x98: {  	_ =	strace s5  }
0x99: {  	_ =	strace $0x8FFFFFFF  }
0x9a: {  	s20 =	sld [smem:$0x3FDB];
	_ =	sdelay $0x1  }
0x9b: {  	s6 =	simm.s32 $_scs_section_size  }
0x9c: {  	s7 =	simm.s32 $_size__tile_overlayer_lowered;
	s8 =	simm.s32 $_tile_overlayer_lowered  }
0x9d: {  	s23 =	simm.s32 $0x1BFF;
	s22 =	sshll.u32 s8, $0x1;
	s5 =	sadd.s32 s6, s20  }
0x9e: {  	s9 =	simm.s32 $0x0;
	s21 =	sshll.u32 s7, $0x1;
	s7 =	sadd.s32 s22, s5  }
0x9f: {  	[timem:s9], [sflag:s23] =	dma.local [hbm:s7], s21  }
0xa0: {  	_ =	swait.ge [sflag:s23], s21  }
0xa1: {  	s6 =	ssub.s32 $0x0, s21;
	[sflag:s23] =	ssyncset.done $0x0  }
0xa2: {  	[sflag:s23] =	ssyncadd.s32 s6;
	_ =	sdelay $0x1  }
0xa3: {  	s24 =	simm.s32 $0x1B8B  }
0xa4: {  	_ =	swait.ge [sflag:s24], $0x1  }
0xa5: {  	[sflag:s24] =	ssyncset.done $0x0  }
0xa6: {  	s25 =	simm.s32 $0x1B8E;
	[sflag:s24] =	ssyncadd.s32 $0xFFFFFFFF  }
0xa7: {  	s26 =	simm.s32 $execute0_lowered;
	[smem:$0x3FD2] =	sst s25  }
0xa8: {  	s6 =	sshll.u32 s26, $0x1;
	_ =	strace $0x80000046;
	[dreg:$0x1] =	wrdreg $0xFFFFFFFF  }
0xa9: {  	s28 =	simm.s32 $_size_execute0_lowered;
	s5 =	sadd.s32 s5, s6;
	[dreg:$0x0] =	wrdreg $0x0  }
0xaa: {  	s6 =	sshll.u32 s28, $0x1;
	[dreg:$0x2] =	wrdreg s5  }
0xab: {  	[dreg:$0x3] =	wrdreg s6  }
0xac: {  	[dreg:$0x4] =	wrdreg $0xC0  }
0xad: {  	_ =	task [dreg:s9], $0x5FFFF  }
0xae: {  	[dreg:$0x1] =	wrdreg $0xFFFFFFFF  }
0xaf: {  	[dreg:$0x0] =	wrdreg $0x60  }
0xb0: {  	[dreg:$0x2] =	wrdreg s19  }
0xb1: {  	[dreg:$0x3] =	wrdreg s2  }
0xb2: {  	[dreg:$0x4] =	wrdreg s4  }
0xb3: {  	[dreg:$0x5] =	wrdreg $0x0  }
0xb4: {  	[dreg:$0x6] =	wrdreg $0x9  }
0xb5: {  	_ =	task.clear_ibuf [dreg:s9], $0x7FFFF;
	_ =	strace $0x90000046  }
0xb6: {  	s29 =	simm.s32 $0x9;
	_ =	strace $0x80000048  }
0xb7: {  	_ =	swait.ge [sflag:s29], $0x1  }
0xb8: {  	[sflag:s29] =	ssyncadd.s32 $0xFFFFFFFF  }
0xb9: {  	_ =	strace $0x90000048  }
0xba: {  	_ =	sfence  }
0xbb: {  	s30 =	sld [smem:$0x0];
	_ =	sdelay $0x2  }
0xbc: {  	s31 =	sshll.u32 s1, $0xD;
	s1 =	sshrl.u32 s1, $0x2  }
0xbd: {  	s3 =	sand.u32 $0x4000, s31;
	s1 =	sadd.s32 s1, s30  }
0xbe: {  	s0 =	sor.u32 s3, s0;
	s1 =	sshll.u32 s1, $0x11  }
0xbf: {  	s0 =	sor.u32 s1, s0  }
0xc0: {  	s0 =	sadd.s32 $0x8F2B, s0  }
0xc1: {  	[sflag:s0] =	ssyncadd.remote.s32 $0x1  }
0xc2: {  	_ =	sfence.sel $0xFFFF  }
0xc3: {  	[dreg:$0x0] =	wrdreg $0xFFFFFFFF;
	(pc) =	sbr.abs _section_cstart, $3  }
0xc4: {  	[dreg:$0x1] =	wrdreg $0xFFFFFFFF  }
0xc5: {  	_ =	task.clear_ibuf [dreg:s9], $0x2FFFF;
	_ =	strace $0x9FFFFFFF  }
0xc6: {  	(tm) =	ssettm $0x7FFFFFFF  }
0xc7: {  	_ =	shalt  }
tec
execute0_lowered:
.L_overlay_start_1:
0x0: {  	(tag) =	ssettag $0x1  }
0x1: {  	s0 =	rddreg [dreg:$0x0]  }
0x2: {  	s17 =	rddreg [dreg:$0x1]  }
0x3: {  	s4 =	rddreg [dreg:$0x2]  }
0x4: {  	s1 =	srdreg.scid;
	s22 =	rddreg [dreg:$0x4]  }
0x5: {  	s3 =	stileid.u32;
	p2 =	por $0x0, $0x0;
	[dreg:$0x5] =	wrdreg s0  }
0x6: {  	s5 =	sand.u32 $0x1, s1;
	s2 =	sshll.u32 s3, $0x1;
	s1 =	rddreg [dreg:$0x3]  }
0x7: {  	s0 =	sadd.s32 $0x30C5, s17;
	s6 =	sor.u32 s5, s2;
	s2 =	simm.s32 $0x0  }
0x8: {  	s15 =	sadd.s32 $0x186280, s4;
	[smem:$0x7FF] =	sst s2;
	s19 =	smul.u32 $0xC380, s6  }
0x9: {  	s7 =	smul.u32 $0xC38, s6;
	_ =	strace $0x80000047;
	[dreg:$0x8] =	wrdreg s0  }
0xa: {  	s10 =	smul.u32 $0x61C00, s6;
	[dreg:$0x17] =	wrdreg s15;
	s21 =	sadd.s32 s4, s19  }
0xb: {  	s8 =	sshrl.u32 s7, $0x3;
	s19 =	simm.s32 $0x658;
	[dreg:$0x9] =	wrdreg s21  }
0xc: {  	s7 =	sadd.s32 $0xB60, s7;
	s8 =	sadd.s32 s17, s8;
	[dreg:$0x1a] =	wrdreg s19  }
0xd: {  	s9 =	sshrl.u32 s7, $0x3;
	s21 =	simm.s32 $0x818;
	[dreg:$0x6] =	wrdreg s8  }
0xe: {  	s7 =	sshll.u32 s7, $0x4;
	s18 =	sadd.s32 s17, s9;
	[dreg:$0x1c] =	wrdreg s21  }
0xf: {  	p0 =	sne.s32 s3, $0x0;
	s14 =	sadd.s32 s4, s7;
	[dreg:$0x7] =	wrdreg s18  }
0x10: {  	s20 =	sshrl.u32 s10, $0x3;
	s17 =	simm.s32 $0x498;
	[dreg:$0x16] =	wrdreg s14  }
0x11: {  	s8 =	sadd.s32 s4, s20;
	s20 =	simm.s32 $0x738;
	[dreg:$0x18] =	wrdreg s17  }
0x12: {  	s3 =	simm.s32 $0x5;
	s23 =	sadd.s32 $0xE00, s8;
	[dreg:$0x1b] =	wrdreg s20  }
0x13: {  	s5 =	ssub.s32 $0x2, s5;
	s24 =	sadd.s32 $0x1C00, s8;
	[dreg:$0xa] =	wrdreg s23  }
0x14: {  	s13 =	sshrl.u32 s5, $0x1;
	s25 =	sadd.s32 $0x2A00, s8;
	[dreg:$0xb] =	wrdreg s24  }
0x15: {  	p1 =	seq.s32 s6, $0x1F;
	s26 =	sadd.s32 $0x3800, s8;
	[dreg:$0xc] =	wrdreg s25  }
0x16: {  	s6 =	simm.s32 $0x1038;
	s28 =	sadd.s32 $0x4600, s8;
	[dreg:$0xd] =	wrdreg s26  }
0x17: {  	s5 =	ssub.s32 s5, s13;
	s29 =	sadd.s32 $0x5400, s8;
	[dreg:$0xe] =	wrdreg s28  }
0x18: {  	s13 =	simm.s32 $0x2;
	s30 =	sadd.s32 $0x6200, s8;
	[dreg:$0xf] =	wrdreg s29  }
0x19: {  	s15 =	simm.s32 $0x4;
	s31 =	sadd.s32 $0x7000, s8;
	[dreg:$0x10] =	wrdreg s30  }
0x1a: {  	s16 =	smax.u32 s5, $0x1;
	s9 =	sadd.s32 $0x7E00, s8;
	[dreg:$0x11] =	wrdreg s31  }
0x1b: {  	s5 =	simm.s32 $0x8;
	s10 =	sadd.s32 $0x8C00, s8;
	[dreg:$0x12] =	wrdreg s9  }
0x1c: {  	s16 =	sadd.s32 $0xFFFFFFFF, s16;
	s11 =	sadd.s32 $0x9A00, s8;
	[dreg:$0x13] =	wrdreg s10  }
0x1d: {  	s7 =	simm.s32 $0x1;
	s12 =	sadd.s32 $0xA800, s8;
	[dreg:$0x14] =	wrdreg s11  }
0x1e: {  	s4 =	simm.s32 $0x7;
	s18 =	simm.s32 $0x578;
	[dreg:$0x15] =	wrdreg s12  }
0x1f: {  	p3 =	sne.s32 s16, $0x0;
	[dreg:$0x19] =	wrdreg s18;
	s24 =	simm.s32 $0x8F8  }
0x20: {  	s8 =	simm.s32 $0x16038;
	s25 =	simm.s32 $0x9D8;
	[dreg:$0x1d] =	wrdreg s24  }
0x21: {  	s14 =	simm.s32 $0x3;
	s28 =	simm.s32 $0xAB8;
	[dreg:$0x1e] =	wrdreg s25  }
0x22: {  	s23 =	simm.s32 $0x3B8;
	s29 =	simm.s32 $0xB98;
	[dreg:$0x1f] =	wrdreg s28  }
.Ltmp0:
0x23: {  	s30 =	simm.s32 $0xC78;
	[smem:$0x7FA] =	sst s29;
	(pc) =	sbr.rel @!p3 .LBB2_5-.Ltmp0, $4  }
0x24: {  	s26 =	simm.s32 $0x9;
	s31 =	simm.s32 $0xD58;
	[smem:$0x7FB] =	sst s30  }
0x25: {  	s12 =	simm.s32 $0xE0;
	s18 =	simm.s32 $0xE38;
	[smem:$0x7FC] =	sst s31  }
0x26: {  	s11 =	simm.s32 $0x8038;
	s9 =	simm.s32 $0xF038;
	[smem:$0x7FD] =	sst s18  }
0x27: {  	s10 =	simm.s32 $0x6;
	s18 =	rddreg [dreg:$0x5];
	s25 =	sshrl.u32 @!p0 s1, $0x3  }
0x28: {  	s0 =	simm.s32 @!p0 $0x1C09;
	s20 =	simm.s32 @!p0 $0x9  }
0x29: {  	[spmem:s25], [sflag:s0] =	dma.local @!p0 [hbm:s18], $0x770  }
0x2a: {  	_ =	swait.ge @!p0 [sflag:s20], $0x770  }
0x2b: {  	[sflag:s20] =	ssyncset.done @!p0 $0x0  }
0x2c: {  	s22 =	rddreg [dreg:$0x6];
	[sflag:s20] =	ssyncadd.s32 @!p0 $0xFFFFF890  }
0x2d: {  	[tilespmem:s23], [sflag:$0x9] =	stream.linear.gather [hbm4b:s22+s2], $0xB60, $0x38;
	[tilespmem:$0x1D038] =	vst v63  }
0x2e: {  	_ =	swait.ge [sflag:s26], $0xB60  }
0x2f: {  	s21 =	simm.s32 @p1 $0x9;
	s19 =	simm.s32 @p1 $0x0;
	[sflag:s26] =	ssyncset.done $0x0  }
0x30: {  	s17 =	simm.s32 @p1 $0xF18;
	s0 =	rddreg [dreg:$0x8];
	[sflag:s26] =	ssyncadd.s32 $0xFFFFF4A0  }
0x31: {  	[tilespmem:s17], [sflag:$0x9] =	stream.linear.gather @p1 [hbm4b:s0+s19], $0x78, $0x38;
	[tilespmem:$0x1D038] =	vst v63  }
0x32: {  	_ =	swait.ge @p1 [sflag:s21], $0x78  }
0x33: {  	s24 =	simm.s32 @!p1 $0x9;
	s30 =	simm.s32 @!p1 $0xF18;
	[sflag:s21] =	ssyncset.done @p1 $0x0  }
0x34: {  	s22 =	simm.s32 @!p1 $0x0;
	s0 =	rddreg [dreg:$0x7];
	[sflag:s21] =	ssyncadd.s32 @p1 $0xFFFFFF88  }
0x35: {  	[tilespmem:s30], [sflag:$0x9] =	stream.linear.gather @!p1 [hbm4b:s0+s22], $0xD8, $0x38;
	[tilespmem:$0x1D038] =	vst v63  }
0x36: {  	_ =	swait.ge @!p1 [sflag:s24], $0xD8  }
0x37: {  	[sflag:s24] =	ssyncset.done @!p1 $0x0  }
0x38: {  	[sflag:s24] =	ssyncadd.s32 @!p1 $0xFFFFFF28  }
0x39: {  	[bflag:$0x0] =	sbarrier.arrive $0xFFFF  }
0x3a: {  	[tilespmem:s6], [sflag:$0x1] =	stream.indirect.gather [spmem:s1], $0x80, s23, s12, $0xb8;
	[tilespmem:$0x1D038] =	vst v63  }
0x3b: {  	s0 =	rddreg [dreg:$0x18]  }
0x3c: {  	[tilespmem:s11], [sflag:$0x2] =	stream.indirect.gather [spmem:s1], $0x80, s0, s12, $0xb8;
	[tilespmem:$0x1D038] =	vst v63  }
0x3d: {  	s18 =	rddreg [dreg:$0x19]  }
0x3e: {  	[tilespmem:s9], [sflag:$0x3] =	stream.indirect.gather [spmem:s1], $0x80, s18, s12, $0xb8;
	[tilespmem:$0x1D038] =	vst v63  }
0x3f: {  	s23 =	rddreg [dreg:$0x1a]  }
0x40: {  	[tilespmem:s8], [sflag:$0x4] =	stream.indirect.gather [spmem:s1], $0x80, s23, s12, $0xb8;
	[tilespmem:$0x1D038] =	vst v63  }
0x41: {  	_ =	swait.ge [sflag:s7], $0x7000  }
0x42: {  	[sflag:s7] =	ssyncset.done $0x0  }
0x43: {  	s18 =	rddreg [dreg:$0x9];
	[sflag:s7] =	ssyncadd.s32 $0xFFFF9000  }
0x44: {  	[hbm4b:s18+s2] =	stream.linear.scatter [tilespmem:s6], [sflag:$0x5], $0x7000, $0x38;
	[tilespmem:$0x1D038] =	vst v63  }
0x45: {  	_ =	swait.ge [sflag:s3], $0x7000  }
0x46: {  	[sflag:s3] =	ssyncset.done $0x0  }
0x47: {  	s23 =	rddreg [dreg:$0x1b];
	[sflag:s3] =	ssyncadd.s32 $0xFFFF9000  }
0x48: {  	[tilespmem:s6], [sflag:$0x1] =	stream.indirect.gather [spmem:s1], $0x80, s23, s12, $0xb8;
	[tilespmem:$0x1D038] =	vst v63  }
0x49: {  	_ =	swait.ge [sflag:s13], $0x7000  }
0x4a: {  	[sflag:s13] =	ssyncset.done $0x0  }
0x4b: {  	s18 =	rddreg [dreg:$0xa];
	[sflag:s13] =	ssyncadd.s32 $0xFFFF9000  }
0x4c: {  	[hbm4b:s18+s2] =	stream.linear.scatter [tilespmem:s11], [sflag:$0x6], $0x7000, $0x38;
	[tilespmem:$0x1D038] =	vst v63  }
0x4d: {  	_ =	swait.ge [sflag:s10], $0x7000  }
0x4e: {  	[sflag:s10] =	ssyncset.done $0x0  }
0x4f: {  	s23 =	rddreg [dreg:$0x1c];
	[sflag:s10] =	ssyncadd.s32 $0xFFFF9000  }
0x50: {  	[tilespmem:s11], [sflag:$0x2] =	stream.indirect.gather [spmem:s1], $0x80, s23, s12, $0xb8;
	[tilespmem:$0x1D038] =	vst v63  }
0x51: {  	_ =	swait.ge [sflag:s14], $0x7000  }
0x52: {  	[sflag:s14] =	ssyncset.done $0x0  }
0x53: {  	s18 =	rddreg [dreg:$0xb];
	[sflag:s14] =	ssyncadd.s32 $0xFFFF9000  }
0x54: {  	[hbm4b:s18+s2] =	stream.linear.scatter [tilespmem:s9], [sflag:$0x7], $0x7000, $0x38;
	[tilespmem:$0x1D038] =	vst v63  }
0x55: {  	_ =	swait.ge [sflag:s4], $0x7000  }
0x56: {  	[sflag:s4] =	ssyncset.done $0x0  }
0x57: {  	s23 =	rddreg [dreg:$0x1d];
	[sflag:s4] =	ssyncadd.s32 $0xFFFF9000  }
0x58: {  	[tilespmem:s9], [sflag:$0x3] =	stream.indirect.gather [spmem:s1], $0x80, s23, s12, $0xb8;
	[tilespmem:$0x1D038] =	vst v63  }
0x59: {  	_ =	swait.ge [sflag:s15], $0x7000  }
0x5a: {  	[sflag:s15] =	ssyncset.done $0x0  }
0x5b: {  	s18 =	rddreg [dreg:$0xc];
	[sflag:s15] =	ssyncadd.s32 $0xFFFF9000  }
0x5c: {  	[hbm4b:s18+s2] =	stream.linear.scatter [tilespmem:s8], [sflag:$0x8], $0x7000, $0x38;
	[tilespmem:$0x1D038] =	vst v63  }
0x5d: {  	_ =	swait.ge [sflag:s5], $0x7000  }
0x5e: {  	[sflag:s5] =	ssyncset.done $0x0  }
0x5f: {  	s23 =	rddreg [dreg:$0x1e];
	[sflag:s5] =	ssyncadd.s32 $0xFFFF9000  }
0x60: {  	[tilespmem:s8], [sflag:$0x4] =	stream.indirect.gather [spmem:s1], $0x80, s23, s12, $0xb8;
	[tilespmem:$0x1D038] =	vst v63  }
0x61: {  	_ =	swait.ge [sflag:s7], $0x7000  }
0x62: {  	[sflag:s7] =	ssyncset.done $0x0  }
0x63: {  	s18 =	rddreg [dreg:$0xd];
	[sflag:s7] =	ssyncadd.s32 $0xFFFF9000  }
0x64: {  	[hbm4b:s18+s2] =	stream.linear.scatter [tilespmem:s6], [sflag:$0x5], $0x7000, $0x38;
	[tilespmem:$0x1D038] =	vst v63  }
0x65: {  	_ =	swait.ge [sflag:s3], $0x7000  }
0x66: {  	[sflag:s3] =	ssyncset.done $0x0  }
0x67: {  	s23 =	rddreg [dreg:$0x1f];
	[sflag:s3] =	ssyncadd.s32 $0xFFFF9000  }
0x68: {  	[tilespmem:s6], [sflag:$0x1] =	stream.indirect.gather [spmem:s1], $0x80, s23, s12, $0xb8;
	[tilespmem:$0x1D038] =	vst v63  }
0x69: {  	_ =	swait.ge [sflag:s13], $0x7000  }
0x6a: {  	[sflag:s13] =	ssyncset.done $0x0  }
0x6b: {  	s18 =	rddreg [dreg:$0xe];
	[sflag:s13] =	ssyncadd.s32 $0xFFFF9000  }
0x6c: {  	[hbm4b:s18+s2] =	stream.linear.scatter [tilespmem:s11], [sflag:$0x6], $0x7000, $0x38;
	[tilespmem:$0x1D038] =	vst v63  }
0x6d: {  	_ =	swait.ge [sflag:s10], $0x7000  }
0x6e: {  	s23 =	sld [smem:$0x7FA]  }
0x6f: {  	[sflag:s10] =	ssyncset.done $0x0  }
0x70: {  	[sflag:s10] =	ssyncadd.s32 $0xFFFF9000  }
0x71: {  	[tilespmem:s11], [sflag:$0x2] =	stream.indirect.gather [spmem:s1], $0x80, s23, s12, $0xb8;
	[tilespmem:$0x1D038] =	vst v63  }
0x72: {  	_ =	swait.ge [sflag:s14], $0x7000  }
0x73: {  	[sflag:s14] =	ssyncset.done $0x0  }
0x74: {  	s18 =	rddreg [dreg:$0xf];
	[sflag:s14] =	ssyncadd.s32 $0xFFFF9000  }
0x75: {  	[hbm4b:s18+s2] =	stream.linear.scatter [tilespmem:s9], [sflag:$0x7], $0x7000, $0x38;
	[tilespmem:$0x1D038] =	vst v63  }
0x76: {  	_ =	swait.ge [sflag:s4], $0x7000  }
0x77: {  	s23 =	sld [smem:$0x7FB]  }
0x78: {  	[sflag:s4] =	ssyncset.done $0x0  }
0x79: {  	[sflag:s4] =	ssyncadd.s32 $0xFFFF9000  }
0x7a: {  	[tilespmem:s9], [sflag:$0x3] =	stream.indirect.gather [spmem:s1], $0x80, s23, s12, $0xb8;
	[tilespmem:$0x1D038] =	vst v63  }
0x7b: {  	_ =	swait.ge [sflag:s15], $0x7000  }
0x7c: {  	[sflag:s15] =	ssyncset.done $0x0  }
0x7d: {  	s18 =	rddreg [dreg:$0x10];
	[sflag:s15] =	ssyncadd.s32 $0xFFFF9000  }
0x7e: {  	[hbm4b:s18+s2] =	stream.linear.scatter [tilespmem:s8], [sflag:$0x8], $0x7000, $0x38;
	[tilespmem:$0x1D038] =	vst v63  }
0x7f: {  	_ =	swait.ge [sflag:s5], $0x7000  }
0x80: {  	s23 =	sld [smem:$0x7FC]  }
0x81: {  	[sflag:s5] =	ssyncset.done $0x0  }
0x82: {  	[sflag:s5] =	ssyncadd.s32 $0xFFFF9000  }
0x83: {  	[tilespmem:s8], [sflag:$0x4] =	stream.indirect.gather [spmem:s1], $0x80, s23, s12, $0xb8;
	[tilespmem:$0x1D038] =	vst v63  }
0x84: {  	_ =	swait.ge [sflag:s7], $0x7000  }
0x85: {  	[sflag:s7] =	ssyncset.done $0x0  }
0x86: {  	s18 =	rddreg [dreg:$0x11];
	[sflag:s7] =	ssyncadd.s32 $0xFFFF9000  }
0x87: {  	[hbm4b:s18+s2] =	stream.linear.scatter [tilespmem:s6], [sflag:$0x5], $0x7000, $0x38;
	[tilespmem:$0x1D038] =	vst v63  }
0x88: {  	_ =	swait.ge [sflag:s3], $0x7000  }
0x89: {  	s23 =	sld [smem:$0x7FD]  }
0x8a: {  	[sflag:s3] =	ssyncset.done $0x0  }
0x8b: {  	[sflag:s3] =	ssyncadd.s32 $0xFFFF9000  }
0x8c: {  	[tilespmem:s6], [sflag:$0x1] =	stream.indirect.gather [spmem:s1], $0x80, s23, s12, $0xb8;
	[tilespmem:$0x1D038] =	vst v63  }
0x8d: {  	_ =	swait.ge [sflag:s13], $0x7000  }
0x8e: {  	[sflag:s13] =	ssyncset.done $0x0  }
0x8f: {  	s18 =	rddreg [dreg:$0x12];
	[sflag:s13] =	ssyncadd.s32 $0xFFFF9000  }
0x90: {  	[hbm4b:s18+s2] =	stream.linear.scatter [tilespmem:s11], [sflag:$0x6], $0x7000, $0x38;
	[tilespmem:$0x1D038] =	vst v63  }
0x91: {  	_ =	swait.ge [sflag:s14], $0x7000  }
0x92: {  	[sflag:s14] =	ssyncset.done $0x0  }
0x93: {  	s23 =	rddreg [dreg:$0x13];
	[sflag:s14] =	ssyncadd.s32 $0xFFFF9000  }
0x94: {  	[hbm4b:s23+s2] =	stream.linear.scatter [tilespmem:s9], [sflag:$0x7], $0x7000, $0x38;
	[tilespmem:$0x1D038] =	vst v63  }
0x95: {  	_ =	swait.ge [sflag:s15], $0x7000  }
0x96: {  	[sflag:s15] =	ssyncset.done $0x0  }
0x97: {  	s18 =	rddreg [dreg:$0x14];
	[sflag:s15] =	ssyncadd.s32 $0xFFFF9000  }
0x98: {  	[hbm4b:s18+s2] =	stream.linear.scatter [tilespmem:s8], [sflag:$0x8], $0x7000, $0x38;
	[tilespmem:$0x1D038] =	vst v63  }
0x99: {  	_ =	swait.ge [sflag:s7], $0x7000  }
0x9a: {  	[sflag:s7] =	ssyncset.done $0x0  }
0x9b: {  	s23 =	rddreg [dreg:$0x15];
	[sflag:s7] =	ssyncadd.s32 $0xFFFF9000  }
0x9c: {  	[hbm4b:s23+s2] =	stream.linear.scatter [tilespmem:s6], [sflag:$0x5], $0x7000, $0x38;
	[tilespmem:$0x1D038] =	vst v63  }
0x9d: {  	_ =	swait.ge [sflag:s10], $0x7000  }
0x9e: {  	s28 =	simm.s32 @p1 $0x2;
	[sflag:s10] =	ssyncset.done $0x0  }
0x9f: {  	s0 =	simm.s32 @p1 $0x78;
	s18 =	simm.s32 @p1 $0x8038;
	[sflag:s10] =	ssyncadd.s32 $0xFFFF9000  }
0xa0: {  	[tilespmem:s18], [sflag:$0x2] =	stream.indirect.gather @p1 [spmem:s1], $0x80, s17, s0, $0xb8;
	[tilespmem:$0x1D038] =	vst v63  }
0xa1: {  	_ =	swait.ge @p1 [sflag:s28], $0x3C00  }
0xa2: {  	[sflag:s28] =	ssyncset.done @p1 $0x0  }
0xa3: {  	s31 =	simm.s32 @p1 $0x6;
	s0 =	rddreg [dreg:$0x17];
	[sflag:s28] =	ssyncadd.s32 @p1 $0xFFFFC400  }
0xa4: {  	[hbm4b:s0+s19] =	stream.linear.scatter @p1 [tilespmem:s18], [sflag:$0x6], $0x3C00, $0x38;
	[tilespmem:$0x1D038] =	vst v63  }
0xa5: {  	_ =	swait.ge @p1 [sflag:s31], $0x3C00  }
0xa6: {  	s29 =	simm.s32 @!p1 $0x8038;
	[sflag:s31] =	ssyncset.done @p1 $0x0  }
0xa7: {  	s17 =	simm.s32 @!p1 $0xD8;
	s0 =	simm.s32 @!p1 $0x2;
	[sflag:s31] =	ssyncadd.s32 @p1 $0xFFFFC400  }
0xa8: {  	[tilespmem:s29], [sflag:$0x2] =	stream.indirect.gather @!p1 [spmem:s1], $0x80, s30, s17, $0xb8;
	[tilespmem:$0x1D038] =	vst v63  }
0xa9: {  	_ =	swait.ge @!p1 [sflag:s0], $0x6C00  }
0xaa: {  	[sflag:s0] =	ssyncset.done @!p1 $0x0  }
0xab: {  	s19 =	simm.s32 @!p1 $0x6;
	s18 =	rddreg [dreg:$0x16];
	[sflag:s0] =	ssyncadd.s32 @!p1 $0xFFFF9400  }
0xac: {  	[hbm4b:s18+s22] =	stream.linear.scatter @!p1 [tilespmem:s29], [sflag:$0x6], $0x6C00, $0x38;
	[tilespmem:$0x1D038] =	vst v63  }
0xad: {  	_ =	swait.ge @!p1 [sflag:s19], $0x6C00  }
0xae: {  	[sflag:s19] =	ssyncset.done @!p1 $0x0  }
0xaf: {  	[sflag:s19] =	ssyncadd.s32 @!p1 $0xFFFF9400  }
0xb0: {  	_ =	swait.ge [sflag:s3], $0x7000  }
0xb1: {  	s16 =	sadd.s32 $0xFFFFFFFF, s16;
	[sflag:s3] =	ssyncset.done $0x0  }
0xb2: {  	p3 =	sne.s32 s16, $0x0;
	[sflag:s3] =	ssyncadd.s32 $0xFFFF9000  }
.Ltmp1:
0xb3: {  	_ =	swait.ge [sflag:s4], $0x7000;
	(pc) =	sbr.rel @!p3 .LBB2_2-.Ltmp1, $4  }
0xb4: {  	[sflag:s4] =	ssyncset.done $0x0  }
0xb5: {  	[sflag:s4] =	ssyncadd.s32 $0xFFFF9000  }
0xb6: {  	_ =	swait.ge [sflag:s5], $0x7000  }
0xb7: {  	p2 =	por $0x1, $0x1;
	s18 =	rddreg [dreg:$0x5];
	[sflag:s5] =	ssyncset.done $0x0  }
.LBB2_3:
0xb8: {  	[sflag:s5] =	ssyncadd.s32 $0xFFFF9000;
	s22 =	simm.s32 @!p0 $0x1C09  }
0xb9: {  	[spmem:s25], [sflag:s22] =	dma.local @!p0 [hbm:s18], $0x770  }
0xba: {  	_ =	swait.ge @!p0 [sflag:s20], $0x770  }
0xbb: {  	[sflag:s20] =	ssyncset.done @!p0 $0x0  }
0xbc: {  	s22 =	simm.s32 $0x3B8;
	s17 =	rddreg [dreg:$0x6];
	[sflag:s20] =	ssyncadd.s32 @!p0 $0xFFFFF890  }
0xbd: {  	[tilespmem:s22], [sflag:$0x9] =	stream.linear.gather [hbm4b:s17+s2], $0xB60, $0x38;
	[tilespmem:$0x1D038] =	vst v63  }
0xbe: {  	_ =	swait.ge [sflag:s26], $0xB60  }
0xbf: {  	s17 =	simm.s32 @p1 $0xF18;
	[sflag:s26] =	ssyncset.done $0x0  }
0xc0: {  	s18 =	rddreg [dreg:$0x8];
	[sflag:s26] =	ssyncadd.s32 $0xFFFFF4A0;
	s26 =	simm.s32 @p1 $0x0  }
0xc1: {  	[tilespmem:s17], [sflag:$0x9] =	stream.linear.gather @p1 [hbm4b:s18+s26], $0x78, $0x38;
	[tilespmem:$0x1D038] =	vst v63  }
0xc2: {  	_ =	swait.ge @p1 [sflag:s21], $0x78  }
0xc3: {  	s23 =	simm.s32 @!p1 $0x0;
	[sflag:s21] =	ssyncset.done @p1 $0x0  }
0xc4: {  	s30 =	simm.s32 @!p1 $0xF18;
	s18 =	rddreg [dreg:$0x7];
	[sflag:s21] =	ssyncadd.s32 @p1 $0xFFFFFF88  }
0xc5: {  	[tilespmem:s30], [sflag:$0x9] =	stream.linear.gather @!p1 [hbm4b:s18+s23], $0xD8, $0x38;
	[tilespmem:$0x1D038] =	vst v63  }
0xc6: {  	_ =	swait.ge @!p1 [sflag:s24], $0xD8  }
0xc7: {  	[sflag:s24] =	ssyncset.done @!p1 $0x0  }
0xc8: {  	[sflag:s24] =	ssyncadd.s32 @!p1 $0xFFFFFF28  }
0xc9: {  	[bflag:$0x0] =	sbarrier.arrive $0xFFFF  }
0xca: {  	[tilespmem:s6], [sflag:$0x1] =	stream.indirect.gather [spmem:s1], $0x80, s22, s12, $0xb8;
	[tilespmem:$0x1D038] =	vst v63  }
0xcb: {  	s18 =	rddreg [dreg:$0x18]  }
0xcc: {  	[tilespmem:s11], [sflag:$0x2] =	stream.indirect.gather [spmem:s1], $0x80, s18, s12, $0xb8;
	[tilespmem:$0x1D038] =	vst v63  }
0xcd: {  	s22 =	rddreg [dreg:$0x19]  }
0xce: {  	[tilespmem:s9], [sflag:$0x3] =	stream.indirect.gather [spmem:s1], $0x80, s22, s12, $0xb8;
	[tilespmem:$0x1D038] =	vst v63  }
0xcf: {  	s18 =	rddreg [dreg:$0x1a]  }
0xd0: {  	[tilespmem:s8], [sflag:$0x4] =	stream.indirect.gather [spmem:s1], $0x80, s18, s12, $0xb8;
	[tilespmem:$0x1D038] =	vst v63  }
0xd1: {  	_ =	swait.ge [sflag:s7], $0x7000  }
0xd2: {  	[sflag:s7] =	ssyncset.done $0x0  }
0xd3: {  	s22 =	rddreg [dreg:$0x9];
	[sflag:s7] =	ssyncadd.s32 $0xFFFF9000  }
0xd4: {  	[hbm4b:s22+s2] =	stream.linear.scatter [tilespmem:s6], [sflag:$0x5], $0x7000, $0x38;
	[tilespmem:$0x1D038] =	vst v63  }
0xd5: {  	_ =	swait.ge [sflag:s3], $0x7000  }
0xd6: {  	[sflag:s3] =	ssyncset.done $0x0  }
0xd7: {  	s22 =	rddreg [dreg:$0x1b];
	[sflag:s3] =	ssyncadd.s32 $0xFFFF9000  }
0xd8: {  	[tilespmem:s6], [sflag:$0x1] =	stream.indirect.gather [spmem:s1], $0x80, s22, s12, $0xb8;
	[tilespmem:$0x1D038] =	vst v63  }
0xd9: {  	_ =	swait.ge [sflag:s13], $0x7000  }
0xda: {  	[sflag:s13] =	ssyncset.done $0x0  }
0xdb: {  	s22 =	rddreg [dreg:$0xa];
	[sflag:s13] =	ssyncadd.s32 $0xFFFF9000  }
0xdc: {  	[hbm4b:s22+s2] =	stream.linear.scatter [tilespmem:s11], [sflag:$0x6], $0x7000, $0x38;
	[tilespmem:$0x1D038] =	vst v63  }
0xdd: {  	_ =	swait.ge [sflag:s10], $0x7000  }
0xde: {  	[sflag:s10] =	ssyncset.done $0x0  }
0xdf: {  	s22 =	rddreg [dreg:$0x1c];
	[sflag:s10] =	ssyncadd.s32 $0xFFFF9000  }
0xe0: {  	[tilespmem:s11], [sflag:$0x2] =	stream.indirect.gather [spmem:s1], $0x80, s22, s12, $0xb8;
	[tilespmem:$0x1D038] =	vst v63  }
0xe1: {  	_ =	swait.ge [sflag:s14], $0x7000  }
0xe2: {  	[sflag:s14] =	ssyncset.done $0x0  }
0xe3: {  	s22 =	rddreg [dreg:$0xb];
	[sflag:s14] =	ssyncadd.s32 $0xFFFF9000  }
0xe4: {  	[hbm4b:s22+s2] =	stream.linear.scatter [tilespmem:s9], [sflag:$0x7], $0x7000, $0x38;
	[tilespmem:$0x1D038] =	vst v63  }
0xe5: {  	_ =	swait.ge [sflag:s4], $0x7000  }
0xe6: {  	[sflag:s4] =	ssyncset.done $0x0  }
0xe7: {  	s22 =	rddreg [dreg:$0x1d];
	[sflag:s4] =	ssyncadd.s32 $0xFFFF9000  }
0xe8: {  	[tilespmem:s9], [sflag:$0x3] =	stream.indirect.gather [spmem:s1], $0x80, s22, s12, $0xb8;
	[tilespmem:$0x1D038] =	vst v63  }
0xe9: {  	_ =	swait.ge [sflag:s15], $0x7000  }
0xea: {  	[sflag:s15] =	ssyncset.done $0x0  }
0xeb: {  	s22 =	rddreg [dreg:$0xc];
	[sflag:s15] =	ssyncadd.s32 $0xFFFF9000  }
0xec: {  	[hbm4b:s22+s2] =	stream.linear.scatter [tilespmem:s8], [sflag:$0x8], $0x7000, $0x38;
	[tilespmem:$0x1D038] =	vst v63  }
0xed: {  	_ =	swait.ge [sflag:s5], $0x7000  }
0xee: {  	[sflag:s5] =	ssyncset.done $0x0  }
0xef: {  	s22 =	rddreg [dreg:$0x1e];
	[sflag:s5] =	ssyncadd.s32 $0xFFFF9000  }
0xf0: {  	[tilespmem:s8], [sflag:$0x4] =	stream.indirect.gather [spmem:s1], $0x80, s22, s12, $0xb8;
	[tilespmem:$0x1D038] =	vst v63  }
0xf1: {  	_ =	swait.ge [sflag:s7], $0x7000  }
0xf2: {  	[sflag:s7] =	ssyncset.done $0x0  }
0xf3: {  	s22 =	rddreg [dreg:$0xd];
	[sflag:s7] =	ssyncadd.s32 $0xFFFF9000  }
0xf4: {  	[hbm4b:s22+s2] =	stream.linear.scatter [tilespmem:s6], [sflag:$0x5], $0x7000, $0x38;
	[tilespmem:$0x1D038] =	vst v63  }
0xf5: {  	_ =	swait.ge [sflag:s3], $0x7000  }
0xf6: {  	[sflag:s3] =	ssyncset.done $0x0  }
0xf7: {  	s22 =	rddreg [dreg:$0x1f];
	[sflag:s3] =	ssyncadd.s32 $0xFFFF9000  }
0xf8: {  	[tilespmem:s6], [sflag:$0x1] =	stream.indirect.gather [spmem:s1], $0x80, s22, s12, $0xb8;
	[tilespmem:$0x1D038] =	vst v63  }
0xf9: {  	_ =	swait.ge [sflag:s13], $0x7000  }
0xfa: {  	[sflag:s13] =	ssyncset.done $0x0  }
0xfb: {  	s22 =	rddreg [dreg:$0xe];
	[sflag:s13] =	ssyncadd.s32 $0xFFFF9000  }
0xfc: {  	[hbm4b:s22+s2] =	stream.linear.scatter [tilespmem:s11], [sflag:$0x6], $0x7000, $0x38;
	[tilespmem:$0x1D038] =	vst v63  }
0xfd: {  	_ =	swait.ge [sflag:s10], $0x7000  }
0xfe: {  	s22 =	sld [smem:$0x7FA]  }
0xff: {  	[sflag:s10] =	ssyncset.done $0x0  }
0x100: {  	[sflag:s10] =	ssyncadd.s32 $0xFFFF9000  }
0x101: {  	[tilespmem:s11], [sflag:$0x2] =	stream.indirect.gather [spmem:s1], $0x80, s22, s12, $0xb8;
	[tilespmem:$0x1D038] =	vst v63  }
0x102: {  	_ =	swait.ge [sflag:s14], $0x7000  }
0x103: {  	[sflag:s14] =	ssyncset.done $0x0  }
0x104: {  	s22 =	rddreg [dreg:$0xf];
	[sflag:s14] =	ssyncadd.s32 $0xFFFF9000  }
0x105: {  	[hbm4b:s22+s2] =	stream.linear.scatter [tilespmem:s9], [sflag:$0x7], $0x7000, $0x38;
	[tilespmem:$0x1D038] =	vst v63  }
0x106: {  	_ =	swait.ge [sflag:s4], $0x7000  }
0x107: {  	s22 =	sld [smem:$0x7FB]  }
0x108: {  	[sflag:s4] =	ssyncset.done $0x0  }
0x109: {  	[sflag:s4] =	ssyncadd.s32 $0xFFFF9000  }
0x10a: {  	[tilespmem:s9], [sflag:$0x3] =	stream.indirect.gather [spmem:s1], $0x80, s22, s12, $0xb8;
	[tilespmem:$0x1D038] =	vst v63  }
0x10b: {  	_ =	swait.ge [sflag:s15], $0x7000  }
0x10c: {  	[sflag:s15] =	ssyncset.done $0x0  }
0x10d: {  	s22 =	rddreg [dreg:$0x10];
	[sflag:s15] =	ssyncadd.s32 $0xFFFF9000  }
0x10e: {  	[hbm4b:s22+s2] =	stream.linear.scatter [tilespmem:s8], [sflag:$0x8], $0x7000, $0x38;
	[tilespmem:$0x1D038] =	vst v63  }
0x10f: {  	_ =	swait.ge [sflag:s5], $0x7000  }
0x110: {  	s22 =	sld [smem:$0x7FC]  }
0x111: {  	[sflag:s5] =	ssyncset.done $0x0  }
0x112: {  	[sflag:s5] =	ssyncadd.s32 $0xFFFF9000  }
0x113: {  	[tilespmem:s8], [sflag:$0x4] =	stream.indirect.gather [spmem:s1], $0x80, s22, s12, $0xb8;
	[tilespmem:$0x1D038] =	vst v63  }
0x114: {  	_ =	swait.ge [sflag:s7], $0x7000  }
0x115: {  	[sflag:s7] =	ssyncset.done $0x0  }
0x116: {  	s22 =	rddreg [dreg:$0x11];
	[sflag:s7] =	ssyncadd.s32 $0xFFFF9000  }
0x117: {  	[hbm4b:s22+s2] =	stream.linear.scatter [tilespmem:s6], [sflag:$0x5], $0x7000, $0x38;
	[tilespmem:$0x1D038] =	vst v63  }
0x118: {  	_ =	swait.ge [sflag:s3], $0x7000  }
0x119: {  	s22 =	sld [smem:$0x7FD]  }
0x11a: {  	[sflag:s3] =	ssyncset.done $0x0  }
0x11b: {  	[sflag:s3] =	ssyncadd.s32 $0xFFFF9000  }
0x11c: {  	[tilespmem:s6], [sflag:$0x1] =	stream.indirect.gather [spmem:s1], $0x80, s22, s12, $0xb8;
	[tilespmem:$0x1D038] =	vst v63  }
0x11d: {  	_ =	swait.ge [sflag:s13], $0x7000  }
0x11e: {  	[sflag:s13] =	ssyncset.done $0x0  }
0x11f: {  	s22 =	rddreg [dreg:$0x12];
	[sflag:s13] =	ssyncadd.s32 $0xFFFF9000  }
0x120: {  	[hbm4b:s22+s2] =	stream.linear.scatter [tilespmem:s11], [sflag:$0x6], $0x7000, $0x38;
	[tilespmem:$0x1D038] =	vst v63  }
0x121: {  	_ =	swait.ge [sflag:s14], $0x7000  }
0x122: {  	[sflag:s14] =	ssyncset.done $0x0  }
0x123: {  	s22 =	rddreg [dreg:$0x13];
	[sflag:s14] =	ssyncadd.s32 $0xFFFF9000  }
0x124: {  	[hbm4b:s22+s2] =	stream.linear.scatter [tilespmem:s9], [sflag:$0x7], $0x7000, $0x38;
	[tilespmem:$0x1D038] =	vst v63  }
0x125: {  	_ =	swait.ge [sflag:s15], $0x7000  }
0x126: {  	[sflag:s15] =	ssyncset.done $0x0  }
0x127: {  	s22 =	rddreg [dreg:$0x14];
	[sflag:s15] =	ssyncadd.s32 $0xFFFF9000  }
0x128: {  	[hbm4b:s22+s2] =	stream.linear.scatter [tilespmem:s8], [sflag:$0x8], $0x7000, $0x38;
	[tilespmem:$0x1D038] =	vst v63  }
0x129: {  	_ =	swait.ge [sflag:s7], $0x7000  }
0x12a: {  	[sflag:s7] =	ssyncset.done $0x0  }
0x12b: {  	s22 =	rddreg [dreg:$0x15];
	[sflag:s7] =	ssyncadd.s32 $0xFFFF9000  }
0x12c: {  	[hbm4b:s22+s2] =	stream.linear.scatter [tilespmem:s6], [sflag:$0x5], $0x7000, $0x38;
	[tilespmem:$0x1D038] =	vst v63  }
0x12d: {  	_ =	swait.ge [sflag:s10], $0x7000  }
0x12e: {  	[sflag:s10] =	ssyncset.done $0x0  }
0x12f: {  	s18 =	simm.s32 @p1 $0x78;
	s22 =	simm.s32 @p1 $0x8038;
	[sflag:s10] =	ssyncadd.s32 $0xFFFF9000  }
0x130: {  	[tilespmem:s22], [sflag:$0x2] =	stream.indirect.gather @p1 [spmem:s1], $0x80, s17, s18, $0xb8;
	[tilespmem:$0x1D038] =	vst v63  }
0x131: {  	_ =	swait.ge @p1 [sflag:s28], $0x3C00  }
0x132: {  	[sflag:s28] =	ssyncset.done @p1 $0x0  }
0x133: {  	s18 =	rddreg [dreg:$0x17];
	[sflag:s28] =	ssyncadd.s32 @p1 $0xFFFFC400  }
0x134: {  	[hbm4b:s18+s26] =	stream.linear.scatter @p1 [tilespmem:s22], [sflag:$0x6], $0x3C00, $0x38;
	[tilespmem:$0x1D038] =	vst v63  }
0x135: {  	_ =	swait.ge @p1 [sflag:s31], $0x3C00  }
0x136: {  	[sflag:s31] =	ssyncset.done @p1 $0x0  }
0x137: {  	s17 =	simm.s32 @!p1 $0xD8;
	[sflag:s31] =	ssyncadd.s32 @p1 $0xFFFFC400  }
0x138: {  	[tilespmem:s29], [sflag:$0x2] =	stream.indirect.gather @!p1 [spmem:s1], $0x80, s30, s17, $0xb8;
	[tilespmem:$0x1D038] =	vst v63  }
0x139: {  	_ =	swait.ge @!p1 [sflag:s0], $0x6C00  }
0x13a: {  	[sflag:s0] =	ssyncset.done @!p1 $0x0  }
0x13b: {  	s18 =	rddreg [dreg:$0x16];
	[sflag:s0] =	ssyncadd.s32 @!p1 $0xFFFF9400  }
0x13c: {  	[hbm4b:s18+s23] =	stream.linear.scatter @!p1 [tilespmem:s29], [sflag:$0x6], $0x6C00, $0x38;
	[tilespmem:$0x1D038] =	vst v63  }
0x13d: {  	_ =	swait.ge @!p1 [sflag:s19], $0x6C00  }
0x13e: {  	[sflag:s19] =	ssyncset.done @!p1 $0x0  }
0x13f: {  	[sflag:s19] =	ssyncadd.s32 @!p1 $0xFFFF9400  }
0x140: {  	_ =	swait.ge [sflag:s3], $0x7000  }
0x141: {  	s16 =	sadd.s32 $0xFFFFFFFF, s16;
	[sflag:s3] =	ssyncset.done $0x0  }
0x142: {  	p3 =	sne.s32 s16, $0x0;
	[sflag:s3] =	ssyncadd.s32 $0xFFFF9000  }
.Ltmp2:
0x143: {  	_ =	swait.ge [sflag:s4], $0x7000;
	(pc) =	sbr.rel @p3 .LBB2_3-.Ltmp2, $4  }
0x144: {  	[sflag:s4] =	ssyncset.done $0x0  }
0x145: {  	[sflag:s4] =	ssyncadd.s32 $0xFFFF9000  }
0x146: {  	_ =	swait.ge [sflag:s5], $0x7000  }
0x147: {  	s26 =	simm.s32 $0x9;
	s18 =	rddreg [dreg:$0x5];
	[sflag:s5] =	ssyncset.done $0x0  }
0x148: {  	s22 =	rddreg [dreg:$0x4];
	s23 =	simm.s32 $0x3B8  }
.LBB2_5:
0x149: {  	[sflag:s5] =	ssyncadd.s32 @p2 $0xFFFF9000;
	s0 =	simm.s32 @!p0 $0x1C09;
	s16 =	simm.s32 @!p0 $0x9  }
0x14a: {  	[spmem:s25], [sflag:s0] =	dma.local @!p0 [hbm:s18], $0x770  }
0x14b: {  	_ =	swait.ge @!p0 [sflag:s16], $0x770  }
0x14c: {  	[sflag:s16] =	ssyncset.done @!p0 $0x0  }
0x14d: {  	s25 =	rddreg [dreg:$0x6];
	[sflag:s16] =	ssyncadd.s32 @!p0 $0xFFFFF890  }
0x14e: {  	[tilespmem:s23], [sflag:$0x9] =	stream.linear.gather [hbm4b:s25+s2], $0xB60, $0x38;
	[tilespmem:$0x1D038] =	vst v63  }
0x14f: {  	_ =	swait.ge [sflag:s26], $0xB60  }
0x150: {  	s19 =	simm.s32 @p1 $0x9;
	s18 =	simm.s32 @p1 $0xF18;
	[sflag:s26] =	ssyncset.done $0x0  }
0x151: {  	s16 =	simm.s32 @p1 $0x0;
	s0 =	rddreg [dreg:$0x8];
	[sflag:s26] =	ssyncadd.s32 $0xFFFFF4A0  }
0x152: {  	[tilespmem:s18], [sflag:$0x9] =	stream.linear.gather @p1 [hbm4b:s0+s16], $0x78, $0x38;
	[tilespmem:$0x1D038] =	vst v63  }
0x153: {  	_ =	swait.ge @p1 [sflag:s19], $0x78  }
0x154: {  	s21 =	simm.s32 @!p1 $0x9;
	s17 =	simm.s32 @!p1 $0xF18;
	[sflag:s19] =	ssyncset.done @p1 $0x0  }
0x155: {  	s0 =	simm.s32 @!p1 $0x0;
	s20 =	rddreg [dreg:$0x7];
	[sflag:s19] =	ssyncadd.s32 @p1 $0xFFFFFF88  }
0x156: {  	[tilespmem:s17], [sflag:$0x9] =	stream.linear.gather @!p1 [hbm4b:s20+s0], $0xD8, $0x38;
	[tilespmem:$0x1D038] =	vst v63  }
0x157: {  	_ =	swait.ge @!p1 [sflag:s21], $0xD8  }
0x158: {  	[sflag:s21] =	ssyncset.done @!p1 $0x0  }
0x159: {  	[sflag:s21] =	ssyncadd.s32 @!p1 $0xFFFFFF28  }
0x15a: {  	[bflag:$0x0] =	sbarrier.arrive $0xFFFF  }
0x15b: {  	[tilespmem:s6], [sflag:$0x1] =	stream.indirect.gather [spmem:s1], $0x80, s23, s12, $0xb8;
	[tilespmem:$0x1D038] =	vst v63  }
0x15c: {  	s26 =	rddreg [dreg:$0x18]  }
0x15d: {  	[tilespmem:s11], [sflag:$0x2] =	stream.indirect.gather [spmem:s1], $0x80, s26, s12, $0xb8;
	[tilespmem:$0x1D038] =	vst v63  }
0x15e: {  	s28 =	rddreg [dreg:$0x19]  }
0x15f: {  	[tilespmem:s9], [sflag:$0x3] =	stream.indirect.gather [spmem:s1], $0x80, s28, s12, $0xb8;
	[tilespmem:$0x1D038] =	vst v63  }
0x160: {  	s29 =	rddreg [dreg:$0x1a]  }
0x161: {  	[tilespmem:s8], [sflag:$0x4] =	stream.indirect.gather [spmem:s1], $0x80, s29, s12, $0xb8;
	[tilespmem:$0x1D038] =	vst v63  }
0x162: {  	_ =	swait.ge [sflag:s7], $0x7000  }
0x163: {  	[sflag:s7] =	ssyncset.done $0x0  }
0x164: {  	s30 =	rddreg [dreg:$0x9];
	[sflag:s7] =	ssyncadd.s32 $0xFFFF9000  }
0x165: {  	[hbm4b:s30+s2] =	stream.linear.scatter [tilespmem:s6], [sflag:$0x5], $0x7000, $0x38;
	[tilespmem:$0x1D038] =	vst v63  }
0x166: {  	_ =	swait.ge [sflag:s3], $0x7000  }
0x167: {  	[sflag:s3] =	ssyncset.done $0x0  }
0x168: {  	s31 =	rddreg [dreg:$0x1b];
	[sflag:s3] =	ssyncadd.s32 $0xFFFF9000  }
0x169: {  	[tilespmem:s6], [sflag:$0x1] =	stream.indirect.gather [spmem:s1], $0x80, s31, s12, $0xb8;
	[tilespmem:$0x1D038] =	vst v63  }
0x16a: {  	_ =	swait.ge [sflag:s13], $0x7000  }
0x16b: {  	[sflag:s13] =	ssyncset.done $0x0  }
0x16c: {  	s20 =	rddreg [dreg:$0xa];
	[sflag:s13] =	ssyncadd.s32 $0xFFFF9000  }
0x16d: {  	[hbm4b:s20+s2] =	stream.linear.scatter [tilespmem:s11], [sflag:$0x6], $0x7000, $0x38;
	[tilespmem:$0x1D038] =	vst v63  }
0x16e: {  	_ =	swait.ge [sflag:s10], $0x7000  }
0x16f: {  	[sflag:s10] =	ssyncset.done $0x0  }
0x170: {  	s21 =	rddreg [dreg:$0x1c];
	[sflag:s10] =	ssyncadd.s32 $0xFFFF9000  }
0x171: {  	[tilespmem:s11], [sflag:$0x2] =	stream.indirect.gather [spmem:s1], $0x80, s21, s12, $0xb8;
	[tilespmem:$0x1D038] =	vst v63  }
0x172: {  	_ =	swait.ge [sflag:s14], $0x7000  }
0x173: {  	[sflag:s14] =	ssyncset.done $0x0  }
0x174: {  	s23 =	rddreg [dreg:$0xb];
	[sflag:s14] =	ssyncadd.s32 $0xFFFF9000  }
0x175: {  	[hbm4b:s23+s2] =	stream.linear.scatter [tilespmem:s9], [sflag:$0x7], $0x7000, $0x38;
	[tilespmem:$0x1D038] =	vst v63  }
0x176: {  	_ =	swait.ge [sflag:s4], $0x7000  }
0x177: {  	[sflag:s4] =	ssyncset.done $0x0  }
0x178: {  	s24 =	rddreg [dreg:$0x1d];
	[sflag:s4] =	ssyncadd.s32 $0xFFFF9000  }
0x179: {  	[tilespmem:s9], [sflag:$0x3] =	stream.indirect.gather [spmem:s1], $0x80, s24, s12, $0xb8;
	[tilespmem:$0x1D038] =	vst v63  }
0x17a: {  	_ =	swait.ge [sflag:s15], $0x7000  }
0x17b: {  	[sflag:s15] =	ssyncset.done $0x0  }
0x17c: {  	s25 =	rddreg [dreg:$0xc];
	[sflag:s15] =	ssyncadd.s32 $0xFFFF9000  }
0x17d: {  	[hbm4b:s25+s2] =	stream.linear.scatter [tilespmem:s8], [sflag:$0x8], $0x7000, $0x38;
	[tilespmem:$0x1D038] =	vst v63  }
0x17e: {  	_ =	swait.ge [sflag:s5], $0x7000  }
0x17f: {  	[sflag:s5] =	ssyncset.done $0x0  }
0x180: {  	s26 =	rddreg [dreg:$0x1e];
	[sflag:s5] =	ssyncadd.s32 $0xFFFF9000  }
0x181: {  	[tilespmem:s8], [sflag:$0x4] =	stream.indirect.gather [spmem:s1], $0x80, s26, s12, $0xb8;
	[tilespmem:$0x1D038] =	vst v63  }
0x182: {  	_ =	swait.ge [sflag:s7], $0x7000  }
0x183: {  	[sflag:s7] =	ssyncset.done $0x0  }
0x184: {  	s28 =	rddreg [dreg:$0xd];
	[sflag:s7] =	ssyncadd.s32 $0xFFFF9000  }
0x185: {  	[hbm4b:s28+s2] =	stream.linear.scatter [tilespmem:s6], [sflag:$0x5], $0x7000, $0x38;
	[tilespmem:$0x1D038] =	vst v63  }
0x186: {  	_ =	swait.ge [sflag:s3], $0x7000  }
0x187: {  	[sflag:s3] =	ssyncset.done $0x0  }
0x188: {  	s29 =	rddreg [dreg:$0x1f];
	[sflag:s3] =	ssyncadd.s32 $0xFFFF9000  }
0x189: {  	[tilespmem:s6], [sflag:$0x1] =	stream.indirect.gather [spmem:s1], $0x80, s29, s12, $0xb8;
	[tilespmem:$0x1D038] =	vst v63  }
0x18a: {  	_ =	swait.ge [sflag:s13], $0x7000  }
0x18b: {  	[sflag:s13] =	ssyncset.done $0x0  }
0x18c: {  	s30 =	rddreg [dreg:$0xe];
	[sflag:s13] =	ssyncadd.s32 $0xFFFF9000  }
0x18d: {  	[hbm4b:s30+s2] =	stream.linear.scatter [tilespmem:s11], [sflag:$0x6], $0x7000, $0x38;
	[tilespmem:$0x1D038] =	vst v63  }
0x18e: {  	_ =	swait.ge [sflag:s10], $0x7000  }
0x18f: {  	s31 =	sld [smem:$0x7FA]  }
0x190: {  	[sflag:s10] =	ssyncset.done $0x0  }
0x191: {  	[sflag:s10] =	ssyncadd.s32 $0xFFFF9000  }
0x192: {  	[tilespmem:s11], [sflag:$0x2] =	stream.indirect.gather [spmem:s1], $0x80, s31, s12, $0xb8;
	[tilespmem:$0x1D038] =	vst v63  }
0x193: {  	_ =	swait.ge [sflag:s14], $0x7000  }
0x194: {  	[sflag:s14] =	ssyncset.done $0x0  }
0x195: {  	s20 =	rddreg [dreg:$0xf];
	[sflag:s14] =	ssyncadd.s32 $0xFFFF9000  }
0x196: {  	[hbm4b:s20+s2] =	stream.linear.scatter [tilespmem:s9], [sflag:$0x7], $0x7000, $0x38;
	[tilespmem:$0x1D038] =	vst v63  }
0x197: {  	_ =	swait.ge [sflag:s4], $0x7000  }
0x198: {  	s21 =	sld [smem:$0x7FB]  }
0x199: {  	[sflag:s4] =	ssyncset.done $0x0  }
0x19a: {  	[sflag:s4] =	ssyncadd.s32 $0xFFFF9000  }
0x19b: {  	[tilespmem:s9], [sflag:$0x3] =	stream.indirect.gather [spmem:s1], $0x80, s21, s12, $0xb8;
	[tilespmem:$0x1D038] =	vst v63  }
0x19c: {  	_ =	swait.ge [sflag:s15], $0x7000  }
0x19d: {  	[sflag:s15] =	ssyncset.done $0x0  }
0x19e: {  	s23 =	rddreg [dreg:$0x10];
	[sflag:s15] =	ssyncadd.s32 $0xFFFF9000  }
0x19f: {  	[hbm4b:s23+s2] =	stream.linear.scatter [tilespmem:s8], [sflag:$0x8], $0x7000, $0x38;
	[tilespmem:$0x1D038] =	vst v63  }
0x1a0: {  	_ =	swait.ge [sflag:s5], $0x7000  }
0x1a1: {  	s24 =	sld [smem:$0x7FC]  }
0x1a2: {  	[sflag:s5] =	ssyncset.done $0x0  }
0x1a3: {  	[sflag:s5] =	ssyncadd.s32 $0xFFFF9000  }
0x1a4: {  	[tilespmem:s8], [sflag:$0x4] =	stream.indirect.gather [spmem:s1], $0x80, s24, s12, $0xb8;
	[tilespmem:$0x1D038] =	vst v63  }
0x1a5: {  	_ =	swait.ge [sflag:s7], $0x7000  }
0x1a6: {  	[sflag:s7] =	ssyncset.done $0x0  }
0x1a7: {  	s25 =	rddreg [dreg:$0x11];
	[sflag:s7] =	ssyncadd.s32 $0xFFFF9000  }
0x1a8: {  	[hbm4b:s25+s2] =	stream.linear.scatter [tilespmem:s6], [sflag:$0x5], $0x7000, $0x38;
	[tilespmem:$0x1D038] =	vst v63  }
0x1a9: {  	_ =	swait.ge [sflag:s3], $0x7000  }
0x1aa: {  	s26 =	sld [smem:$0x7FD]  }
0x1ab: {  	[sflag:s3] =	ssyncset.done $0x0  }
0x1ac: {  	[sflag:s3] =	ssyncadd.s32 $0xFFFF9000  }
0x1ad: {  	[tilespmem:s6], [sflag:$0x1] =	stream.indirect.gather [spmem:s1], $0x80, s26, s12, $0xb8;
	[tilespmem:$0x1D038] =	vst v63  }
0x1ae: {  	_ =	swait.ge [sflag:s13], $0x7000  }
0x1af: {  	[sflag:s13] =	ssyncset.done $0x0  }
0x1b0: {  	s28 =	rddreg [dreg:$0x12];
	[sflag:s13] =	ssyncadd.s32 $0xFFFF9000  }
0x1b1: {  	[hbm4b:s28+s2] =	stream.linear.scatter [tilespmem:s11], [sflag:$0x6], $0x7000, $0x38;
	[tilespmem:$0x1D038] =	vst v63  }
0x1b2: {  	_ =	swait.ge [sflag:s14], $0x7000  }
0x1b3: {  	[sflag:s14] =	ssyncset.done $0x0  }
0x1b4: {  	s29 =	rddreg [dreg:$0x13];
	[sflag:s14] =	ssyncadd.s32 $0xFFFF9000  }
0x1b5: {  	[hbm4b:s29+s2] =	stream.linear.scatter [tilespmem:s9], [sflag:$0x7], $0x7000, $0x38;
	[tilespmem:$0x1D038] =	vst v63  }
0x1b6: {  	_ =	swait.ge [sflag:s15], $0x7000  }
0x1b7: {  	[sflag:s15] =	ssyncset.done $0x0  }
0x1b8: {  	s30 =	rddreg [dreg:$0x14];
	[sflag:s15] =	ssyncadd.s32 $0xFFFF9000  }
0x1b9: {  	[hbm4b:s30+s2] =	stream.linear.scatter [tilespmem:s8], [sflag:$0x8], $0x7000, $0x38;
	[tilespmem:$0x1D038] =	vst v63  }
0x1ba: {  	_ =	swait.ge [sflag:s7], $0x7000  }
0x1bb: {  	[sflag:s7] =	ssyncset.done $0x0  }
0x1bc: {  	s31 =	rddreg [dreg:$0x15];
	[sflag:s7] =	ssyncadd.s32 $0xFFFF9000  }
0x1bd: {  	[hbm4b:s31+s2] =	stream.linear.scatter [tilespmem:s6], [sflag:$0x5], $0x7000, $0x38;
	[tilespmem:$0x1D038] =	vst v63  }
0x1be: {  	_ =	swait.ge [sflag:s10], $0x7000  }
0x1bf: {  	s7 =	simm.s32 @p1 $0x8038;
	[sflag:s10] =	ssyncset.done $0x0  }
0x1c0: {  	s2 =	simm.s32 @p1 $0x2;
	s6 =	simm.s32 @p1 $0x78;
	[sflag:s10] =	ssyncadd.s32 $0xFFFF9000  }
0x1c1: {  	[tilespmem:s7], [sflag:$0x2] =	stream.indirect.gather @p1 [spmem:s1], $0x80, s18, s6, $0xb8;
	[tilespmem:$0x1D038] =	vst v63  }
0x1c2: {  	_ =	swait.ge @p1 [sflag:s2], $0x3C00  }
0x1c3: {  	[sflag:s2] =	ssyncset.done @p1 $0x0  }
0x1c4: {  	s6 =	rddreg [dreg:$0x17];
	[sflag:s2] =	ssyncadd.s32 @p1 $0xFFFFC400;
	s2 =	simm.s32 @p1 $0x6  }
0x1c5: {  	[hbm4b:s6+s16] =	stream.linear.scatter @p1 [tilespmem:s7], [sflag:$0x6], $0x3C00, $0x38;
	[tilespmem:$0x1D038] =	vst v63  }
0x1c6: {  	_ =	swait.ge @p1 [sflag:s2], $0x3C00  }
0x1c7: {  	s6 =	simm.s32 @!p1 $0x2;
	[sflag:s2] =	ssyncset.done @p1 $0x0  }
0x1c8: {  	s7 =	simm.s32 @!p1 $0x8038;
	[sflag:s2] =	ssyncadd.s32 @p1 $0xFFFFC400;
	s2 =	simm.s32 @!p1 $0xD8  }
0x1c9: {  	[tilespmem:s7], [sflag:$0x2] =	stream.indirect.gather @!p1 [spmem:s1], $0x80, s17, s2, $0xb8;
	[tilespmem:$0x1D038] =	vst v63  }
0x1ca: {  	_ =	swait.ge @!p1 [sflag:s6], $0x6C00  }
0x1cb: {  	[sflag:s6] =	ssyncset.done @!p1 $0x0  }
0x1cc: {  	s2 =	simm.s32 @!p1 $0x6;
	s1 =	rddreg [dreg:$0x16];
	[sflag:s6] =	ssyncadd.s32 @!p1 $0xFFFF9400  }
0x1cd: {  	[hbm4b:s1+s0] =	stream.linear.scatter @!p1 [tilespmem:s7], [sflag:$0x6], $0x6C00, $0x38;
	[tilespmem:$0x1D038] =	vst v63  }
0x1ce: {  	_ =	swait.ge @!p1 [sflag:s2], $0x6C00  }
0x1cf: {  	[sflag:s2] =	ssyncset.done @!p1 $0x0  }
0x1d0: {  	[sflag:s2] =	ssyncadd.s32 @!p1 $0xFFFF9400  }
0x1d1: {  	_ =	swait.ge [sflag:s3], $0x7000  }
0x1d2: {  	[sflag:s3] =	ssyncset.done $0x0  }
0x1d3: {  	[sflag:s3] =	ssyncadd.s32 $0xFFFF9000  }
0x1d4: {  	_ =	swait.ge [sflag:s4], $0x7000  }
0x1d5: {  	[sflag:s4] =	ssyncset.done $0x0  }
0x1d6: {  	[sflag:s4] =	ssyncadd.s32 $0xFFFF9000  }
0x1d7: {  	_ =	swait.ge [sflag:s5], $0x7000  }
0x1d8: {  	[sflag:s5] =	ssyncset.done $0x0  }
0x1d9: {  	[sflag:s5] =	ssyncadd.s32 $0xFFFF9000  }
0x1da: {  	_ =	sfence.sel $0x180000  }
0x1db: {  	[bflag:$0x0] =	sbarrier.arrive $0xFFFF  }
0x1dc: {  	_ =	strace $0x90000047  }
0x1dd: {  	s0 =	sadd.s32 @!p0 $0x100000, s22;
	[bflag:$0x2] =	sbarrier.arrive $0xFFFF  }
0x1de: {  	[sflag:s0] =	ssyncadd.tile.s32 @!p0 $0x1;
	_ =	shalt  }
.LBB2_2:
.Ltmp3:
0x1df: {  	(pc) =	sbr.rel .LBB2_5-.Ltmp3, $2  }
0x1e0: {  	_ =	sdelay $0x2  }
0x1e1: {  	s22 =	rddreg [dreg:$0x4];
	s23 =	simm.s32 $0x3B8  }
.Lfunc_end2:
_tile_overlayer_lowered:
.L_overlay_start_2:
0x1e2: {  	(tag) =	ssettag $0x2  }
0x1e3: {  	s0 =	rddreg [dreg:$0x0];
	s2 =	stileid.u32  }
0x1e4: {  	s1 =	rddreg [dreg:$0x1];
	p0 =	sne.s32 s2, $0x0  }
0x1e5: {  	s3 =	rddreg [dreg:$0x2];
	[bflag:$0x3] =	sbarrier.arrive $0xFFFF;
	s2 =	simm.s32 @!p0 $0x1C09  }
0x1e6: {  	[timem:s3], [sflag:s2] =	dma.local @!p0 [hbm:s0], s1  }
0x1e7: {  	s0 =	simm.s32 @!p0 $0x9  }
0x1e8: {  	_ =	swait.ge @!p0 [sflag:s0], s1  }
0x1e9: {  	s1 =	ssub.s32 @!p0 $0x0, s1;
	[sflag:s0] =	ssyncset.done @!p0 $0x0  }
0x1ea: {  	[sflag:s0] =	ssyncadd.s32 @!p0 s1  }
0x1eb: {  	[bflag:$0x3] =	sbarrier.arrive $0xFFFF  }
0x1ec: {  	_ =	shalt  }

</sc_bundles>
